<compile_context>
chip_gen: v7x
topology: tpu7x:2x2x1
jax: 0.10.2.dev20260603
libtpu: 0.0.44.dev20260713+nightly
codegen_flags: <defaults>
</compile_context>

<pallas_src>
import functools

import jax
import jax.numpy as jnp
from jax import lax
from jax.experimental import pallas as pl
from jax.experimental.pallas import tpu as pltpu
from jax.experimental.pallas import tpu_sc as plsc

VOCAB = 1000
VPAD = 1024
NB = 1024
NS_SEQ = 200
NTOK = NB * NS_SEQ

NC = 2
NSUB = 16
NW = NC * NSUB
PER_W = NTOK // NW
NB_W = PER_W // NS_SEQ
CK = 40
CPB = NS_SEQ // CK
NCH = PER_W // CK
LANES = 16


def _lse_tc(table):

    def body(t_ref, o_ref):
        x = t_ref[...]
        m = jnp.max(x, axis=1, keepdims=True)
        s = jnp.sum(jnp.exp(x - m), axis=1, keepdims=True)
        o_ref[...] = jnp.log(s) + m

    return pl.pallas_call(
        body,
        out_shape=jax.ShapeDtypeStruct((VOCAB, 1), jnp.float32),
    )(table)


@functools.partial(
    pl.kernel,
    out_type=[
        jax.ShapeDtypeStruct((NB, NS_SEQ, VPAD), jnp.float32),
        jax.ShapeDtypeStruct((NW, LANES), jnp.float32),
    ],
    mesh=plsc.VectorSubcoreMesh(core_axis_name="c", subcore_axis_name="s"),
    compiler_params=pltpu.CompilerParams(
        needs_layout_passes=False, use_tc_tiling_on_sc=False
    ),
    scratch_types=[
        pltpu.VMEM((PER_W + LANES,), jnp.int32),
        pltpu.VMEM((PER_W + LANES,), jnp.int32),
        pltpu.VMEM((CK, VPAD), jnp.float32),
        pltpu.VMEM((CK, VPAD), jnp.float32),
        pltpu.VMEM((VOCAB,), jnp.float32),
        pltpu.VMEM((LANES,), jnp.float32),
        pltpu.SemaphoreType.DMA,
        pltpu.SemaphoreType.DMA,
        pltpu.SemaphoreType.DMA,
        pltpu.SemaphoreType.DMA,
    ],
)
def _sc_gather(table_hbm, idx_hbm, tgt_hbm, lse_hbm,
               out_hbm, loss_hbm,
               idx_all, tgt_all, rows0, rows1, lse_v, part_v,
               gsem0, gsem1, ssem0, ssem1):
    wid = lax.axis_index("s") * NC + lax.axis_index("c")
    rows = (rows0, rows1)
    gsem = (gsem0, gsem1)
    ssem = (ssem0, ssem1)

    pltpu.sync_copy(lse_hbm, lse_v)
    pltpu.sync_copy(idx_hbm.at[wid], idx_all.at[pl.ds(0, PER_W)])
    pltpu.sync_copy(tgt_hbm.at[wid], tgt_all.at[pl.ds(0, PER_W)])

    def out_slice(c):
        batch = wid * NB_W + c // CPB
        s0 = (c % CPB) * CK
        return out_hbm.at[batch, pl.ds(s0, CK)]

    def gather_start(c, b):
        pltpu.async_copy(
            table_hbm.at[idx_all.at[pl.ds(c * CK, CK)]], rows[b], gsem[b])

    def gather_wait(c, b):
        pltpu.make_async_copy(
            table_hbm.at[idx_all.at[pl.ds(c * CK, CK)]], rows[b], gsem[b]
        ).wait()

    def scatter_start(c, b):
        pltpu.async_copy(rows[b], out_slice(c), ssem[b])

    def scatter_wait(c, b):
        pltpu.make_async_copy(rows[b], out_slice(c), ssem[b]).wait()

    iota = lax.iota(jnp.int32, LANES)
    tail_mask = iota < (CK % LANES)

    def compute(c, b, acc):
        base = c * CK
        for j in range(-(-CK // LANES)):
            off = base + j * LANES
            inp16 = idx_all[pl.ds(off, LANES)]
            tgt16 = tgt_all[pl.ds(off, LANES)]
            rid = iota + (j * LANES)
            if (j + 1) * LANES <= CK:
                lse16 = plsc.load_gather(lse_v, [inp16])
                tv = plsc.load_gather(rows[b], [rid, tgt16])
                acc = acc + (lse16 - tv)
            else:
                lse16 = plsc.load_gather(lse_v, [inp16], mask=tail_mask)
                tv = plsc.load_gather(rows[b], [rid, tgt16], mask=tail_mask)
                acc = acc + jnp.where(tail_mask, lse16 - tv, 0.0)
        return acc

    def slot(c, b, acc, first=False, last=False):
        if not first:
            scatter_wait(c - 1, 1 - b)
        if not last:
            gather_start(c + 1, 1 - b)
        gather_wait(c, b)
        scatter_start(c, b)
        return compute(c, b, acc)

    acc = jnp.zeros((LANES,), jnp.float32)
    gather_start(0, 0)
    acc = slot(0, 0, acc, first=True)

    def body(i, acc):
        acc = slot(2 * i + 1, 1, acc)
        acc = slot(2 * i + 2, 0, acc)
        return acc

    acc = lax.fori_loop(0, (NCH - 2) // 2, body, acc)
    acc = slot(NCH - 1, 1, acc, last=True)
    scatter_wait(NCH - 1, 1)

    part_v[...] = acc
    pltpu.sync_copy(part_v, loss_hbm.at[wid])


def kernel(input, target, table):
    lse = _lse_tc(table).reshape(VOCAB)
    tpad = jnp.pad(table, ((0, 0), (0, VPAD - VOCAB)))
    idx = input.reshape(NW, PER_W)
    tgt = target.reshape(NW, PER_W)
    padded, parts = _sc_gather(tpad, idx, tgt, lse)
    logits = padded[:, :, :VOCAB]
    loss = jnp.sum(parts) / jnp.float32(NTOK)
    return (logits, loss)

# --- scband reference (transcript-rebuilt; emitter-appended) ---
"""Pipeline reference for scband-bigram-language-model-29661044146858 (READ-ONLY COPY).

The authoritative reference and input builder live on the scoring server;
editing this copy changes nothing except your own understanding.
"""

import jax, jax.numpy as jnp
import numpy as np

VOCAB = 1000
B = 1024
S = 200


def setup_inputs(seed: int = 0) -> dict:
    key = jax.random.key(seed)
    k1, k2, k3 = jax.random.split(key, 3)
    inp = jax.random.randint(k1, (B, S), 0, VOCAB, dtype=jnp.int32)
    tgt = jax.random.randint(k2, (B, S), 0, VOCAB, dtype=jnp.int32)
    # learned parameter: embedding table of shape [vocab_size, vocab_size]
    table = jax.random.normal(k3, (VOCAB, VOCAB), dtype=jnp.float32) * 0.02
    return {"input": inp, "target": tgt, "table": table}


def reference(input, target, table):
    # logits = embedding lookup: gather rows of table by token id
    logits = jnp.take(table, input, axis=0)  # [B, S, VOCAB]
    Bv, Sv, E = logits.shape
    flat_logits = logits.reshape(Bv * Sv, E)
    flat_target = target.reshape(-1)
    # cross entropy (mean over B*S)
    logp = jax.nn.log_softmax(flat_logits, axis=-1)
    nll = -jnp.take_along_axis(logp, flat_target[:, None].astype(jnp.int32), axis=1)[:, 0]
    loss = jnp.mean(nll)
    return (logits, loss)

if __name__ == "__main__":
    import jax
    _d = setup_inputs()
    print(jax.jit(kernel)(*tuple(_d.values())))

</pallas_src>

<mosaic_0001>
#map = affine_map<(d0, d1) -> (0, 0)>
#map1 = affine_map<(d0, d1) -> (0)>
#map2 = affine_map<(d0, d1) -> (0, 0, 0)>
module attributes {stable_mosaic.version = 14 : i64} {
  func.func @_sc_gather(%arg0: i32, %arg1: i32, %arg2: memref<1000x1024xf32, #tpu.memory_space<hbm>>, %arg3: memref<32x6400xi32, #tpu.memory_space<hbm>>, %arg4: memref<32x6400xi32, #tpu.memory_space<hbm>>, %arg5: memref<1000xf32, #tpu.memory_space<hbm>>, %arg6: memref<1024x200x1024xf32, #tpu.memory_space<hbm>>, %arg7: memref<32x16xf32, #tpu.memory_space<hbm>>, %arg8: memref<6416xi32, #tpu.memory_space<vmem>>, %arg9: memref<6416xi32, #tpu.memory_space<vmem>>, %arg10: memref<40x1024xf32, #tpu.memory_space<vmem>>, %arg11: memref<40x1024xf32, #tpu.memory_space<vmem>>, %arg12: memref<1000xf32, #tpu.memory_space<vmem>>, %arg13: memref<16xf32, #tpu.memory_space<vmem>>, %arg14: memref<!tpu.dma_semaphore, #tpu.memory_space<semaphore_mem>>, %arg15: memref<!tpu.dma_semaphore, #tpu.memory_space<semaphore_mem>>, %arg16: memref<!tpu.dma_semaphore, #tpu.memory_space<semaphore_mem>>, %arg17: memref<!tpu.dma_semaphore, #tpu.memory_space<semaphore_mem>>) attributes {dimension_semantics = [#tpu.dimension_semantics<core_parallel>, #tpu.dimension_semantics<subcore_parallel>], iteration_bounds = array<i64: 2, 16>, scalar_prefetch = 0 : i64, scratch_operands = 10 : i64, tpu.core_type = #tpu.core_type<sc_vector_subcore>, window_params = [{transform_indices = #map}, {transform_indices = #map}, {transform_indices = #map}, {transform_indices = #map1}, {transform_indices = #map2}, {transform_indices = #map}]} {
    %mul3A = arith.constant 2 : i32
    %mul3A_0 = arith.muli %arg1, %mul3A : i32
    %add3A = arith.addi %mul3A_0, %arg0 : i32
    "tpu.region"() ({
      %run_scoped3A = tpu.sem_alloc : memref<!tpu.dma_semaphore, #tpu.memory_space<semaphore_mem>>
      tpu.enqueue_dma source(%arg5 : memref<1000xf32, #tpu.memory_space<hbm>>) target(%arg12 : memref<1000xf32, #tpu.memory_space<vmem>>) target_semaphore(%run_scoped3A : memref<!tpu.dma_semaphore, #tpu.memory_space<semaphore_mem>>)
      tpu.wait_dma2 semaphore(%run_scoped3A : memref<!tpu.dma_semaphore, #tpu.memory_space<semaphore_mem>>) src(%arg5 : memref<1000xf32, #tpu.memory_space<hbm>>) dst(%arg12 : memref<1000xf32, #tpu.memory_space<vmem>>)
      tpu.yield
    }) : () -> ()
    "tpu.region"() ({
      %run_scoped3A = tpu.sem_alloc : memref<!tpu.dma_semaphore, #tpu.memory_space<semaphore_mem>>
      %dma_start3A_143 = arith.constant 0 : i32
      %dma_start3A_144 = tpu.memref_slice %arg8[%dma_start3A_143] : memref<6416xi32, #tpu.memory_space<vmem>> -> memref<6400xi32, #tpu.memory_space<vmem>>
      %dma_start3A_145 = arith.constant 0 : i32
      %dma_start3A_146 = tpu.memref_slice %arg3[%add3A, %dma_start3A_145] : memref<32x6400xi32, #tpu.memory_space<hbm>> -> memref<1x6400xi32, #tpu.memory_space<hbm>>
      %dma_start3A_147 = tpu.memref_squeeze %dma_start3A_146 : memref<1x6400xi32, #tpu.memory_space<hbm>> -> memref<6400xi32, #tpu.memory_space<hbm>>
      %dma_start3A_148 = arith.constant 0 : i32
      %dma_start3A_149 = tpu.memref_slice %arg8[%dma_start3A_148] : memref<6416xi32, #tpu.memory_space<vmem>> -> memref<6400xi32, #tpu.memory_space<vmem>>
      %dma_start3A_150 = arith.constant 0 : i32
      %dma_start3A_151 = tpu.memref_slice %arg3[%add3A, %dma_start3A_150] : memref<32x6400xi32, #tpu.memory_space<hbm>> -> memref<1x6400xi32, #tpu.memory_space<hbm>>
      %dma_start3A_152 = tpu.memref_squeeze %dma_start3A_151 : memref<1x6400xi32, #tpu.memory_space<hbm>> -> memref<6400xi32, #tpu.memory_space<hbm>>
      tpu.enqueue_dma source(%dma_start3A_152 : memref<6400xi32, #tpu.memory_space<hbm>>) target(%dma_start3A_149 : memref<6400xi32, #tpu.memory_space<vmem>>) target_semaphore(%run_scoped3A : memref<!tpu.dma_semaphore, #tpu.memory_space<semaphore_mem>>)
      %dma_wait3A_153 = arith.constant 0 : i32
      %dma_wait3A_154 = tpu.memref_slice %arg8[%dma_wait3A_153] : memref<6416xi32, #tpu.memory_space<vmem>> -> memref<6400xi32, #tpu.memory_space<vmem>>
      %dma_wait3A_155 = arith.constant 0 : i32
      %dma_wait3A_156 = tpu.memref_slice %arg3[%add3A, %dma_wait3A_155] : memref<32x6400xi32, #tpu.memory_space<hbm>> -> memref<1x6400xi32, #tpu.memory_space<hbm>>
      %dma_wait3A_157 = tpu.memref_squeeze %dma_wait3A_156 : memref<1x6400xi32, #tpu.memory_space<hbm>> -> memref<6400xi32, #tpu.memory_space<hbm>>
      %dma_wait3A_158 = arith.constant 0 : i32
      %dma_wait3A_159 = tpu.memref_slice %arg8[%dma_wait3A_158] : memref<6416xi32, #tpu.memory_space<vmem>> -> memref<6400xi32, #tpu.memory_space<vmem>>
      %dma_wait3A_160 = arith.constant 0 : i32
      %dma_wait3A_161 = tpu.memref_slice %arg3[%add3A, %dma_wait3A_160] : memref<32x6400xi32, #tpu.memory_space<hbm>> -> memref<1x6400xi32, #tpu.memory_space<hbm>>
      %dma_wait3A_162 = tpu.memref_squeeze %dma_wait3A_161 : memref<1x6400xi32, #tpu.memory_space<hbm>> -> memref<6400xi32, #tpu.memory_space<hbm>>
      tpu.wait_dma2 semaphore(%run_scoped3A : memref<!tpu.dma_semaphore, #tpu.memory_space<semaphore_mem>>) src(%dma_wait3A_162 : memref<6400xi32, #tpu.memory_space<hbm>>) dst(%dma_wait3A_159 : memref<6400xi32, #tpu.memory_space<vmem>>)
      tpu.yield
    }) : () -> ()
    "tpu.region"() ({
      %run_scoped3A = tpu.sem_alloc : memref<!tpu.dma_semaphore, #tpu.memory_space<semaphore_mem>>
      %dma_start3A_143 = arith.constant 0 : i32
      %dma_start3A_144 = tpu.memref_slice %arg9[%dma_start3A_143] : memref<6416xi32, #tpu.memory_space<vmem>> -> memref<6400xi32, #tpu.memory_space<vmem>>
      %dma_start3A_145 = arith.constant 0 : i32
      %dma_start3A_146 = tpu.memref_slice %arg4[%add3A, %dma_start3A_145] : memref<32x6400xi32, #tpu.memory_space<hbm>> -> memref<1x6400xi32, #tpu.memory_space<hbm>>
      %dma_start3A_147 = tpu.memref_squeeze %dma_start3A_146 : memref<1x6400xi32, #tpu.memory_space<hbm>> -> memref<6400xi32, #tpu.memory_space<hbm>>
      %dma_start3A_148 = arith.constant 0 : i32
      %dma_start3A_149 = tpu.memref_slice %arg9[%dma_start3A_148] : memref<6416xi32, #tpu.memory_space<vmem>> -> memref<6400xi32, #tpu.memory_space<vmem>>
      %dma_start3A_150 = arith.constant 0 : i32
      %dma_start3A_151 = tpu.memref_slice %arg4[%add3A, %dma_start3A_150] : memref<32x6400xi32, #tpu.memory_space<hbm>> -> memref<1x6400xi32, #tpu.memory_space<hbm>>
      %dma_start3A_152 = tpu.memref_squeeze %dma_start3A_151 : memref<1x6400xi32, #tpu.memory_space<hbm>> -> memref<6400xi32, #tpu.memory_space<hbm>>
      tpu.enqueue_dma source(%dma_start3A_152 : memref<6400xi32, #tpu.memory_space<hbm>>) target(%dma_start3A_149 : memref<6400xi32, #tpu.memory_space<vmem>>) target_semaphore(%run_scoped3A : memref<!tpu.dma_semaphore, #tpu.memory_space<semaphore_mem>>)
      %dma_wait3A_153 = arith.constant 0 : i32
      %dma_wait3A_154 = tpu.memref_slice %arg9[%dma_wait3A_153] : memref<6416xi32, #tpu.memory_space<vmem>> -> memref<6400xi32, #tpu.memory_space<vmem>>
      %dma_wait3A_155 = arith.constant 0 : i32
      %dma_wait3A_156 = tpu.memref_slice %arg4[%add3A, %dma_wait3A_155] : memref<32x6400xi32, #tpu.memory_space<hbm>> -> memref<1x6400xi32, #tpu.memory_space<hbm>>
      %dma_wait3A_157 = tpu.memref_squeeze %dma_wait3A_156 : memref<1x6400xi32, #tpu.memory_space<hbm>> -> memref<6400xi32, #tpu.memory_space<hbm>>
      %dma_wait3A_158 = arith.constant 0 : i32
      %dma_wait3A_159 = tpu.memref_slice %arg9[%dma_wait3A_158] : memref<6416xi32, #tpu.memory_space<vmem>> -> memref<6400xi32, #tpu.memory_space<vmem>>
      %dma_wait3A_160 = arith.constant 0 : i32
      %dma_wait3A_161 = tpu.memref_slice %arg4[%add3A, %dma_wait3A_160] : memref<32x6400xi32, #tpu.memory_space<hbm>> -> memref<1x6400xi32, #tpu.memory_space<hbm>>
      %dma_wait3A_162 = tpu.memref_squeeze %dma_wait3A_161 : memref<1x6400xi32, #tpu.memory_space<hbm>> -> memref<6400xi32, #tpu.memory_space<hbm>>
      tpu.wait_dma2 semaphore(%run_scoped3A : memref<!tpu.dma_semaphore, #tpu.memory_space<semaphore_mem>>) src(%dma_wait3A_162 : memref<6400xi32, #tpu.memory_space<hbm>>) dst(%dma_wait3A_159 : memref<6400xi32, #tpu.memory_space<vmem>>)
      tpu.yield
    }) : () -> ()
    %iota3A = tpu.iota {dimensions = array<i32: 0>} : vector<16xi32>
    %lt3A = arith.constant 8 : i32
    %lt3A_1 = vector.broadcast %lt3A : i32 to vector<16xi32>
    %lt3A_2 = arith.cmpi slt, %iota3A, %lt3A_1 : vector<16xi32>
    %broadcast_in_dim3A = arith.constant 0.000000e+00 : f32
    %broadcast_in_dim3A_3 = vector.broadcast %broadcast_in_dim3A : f32 to vector<16xf32>
    %dma_start3A = arith.constant 0 : i32
    %dma_start3A_4 = tpu.memref_slice %arg8[%dma_start3A] : memref<6416xi32, #tpu.memory_space<vmem>> -> memref<40xi32, #tpu.memory_space<vmem>>
    %dma_start3A_5 = arith.constant 0 : i32
    %dma_start3A_6 = arith.constant 0 : i32
    %dma_start3A_7 = tpu.memref_slice %arg2[%dma_start3A_5, %dma_start3A_6] : memref<1000x1024xf32, #tpu.memory_space<hbm>> -> memref<1000x1024xf32, #tpu.memory_space<hbm>>
    tpu.enqueue_indirect_dma source(%dma_start3A_7 : memref<1000x1024xf32, #tpu.memory_space<hbm>>) target(%arg10 : memref<40x1024xf32, #tpu.memory_space<vmem>>) offsets(%dma_start3A_4 : memref<40xi32, #tpu.memory_space<vmem>>) semaphore(%arg14 : memref<!tpu.dma_semaphore, #tpu.memory_space<semaphore_mem>>)
    %dma_start3A_8 = arith.constant 40 : i32
    %dma_start3A_9 = tpu.memref_slice %arg8[%dma_start3A_8] : memref<6416xi32, #tpu.memory_space<vmem>> -> memref<40xi32, #tpu.memory_space<vmem>>
    %dma_start3A_10 = arith.constant 0 : i32
    %dma_start3A_11 = arith.constant 0 : i32
    %dma_start3A_12 = tpu.memref_slice %arg2[%dma_start3A_10, %dma_start3A_11] : memref<1000x1024xf32, #tpu.memory_space<hbm>> -> memref<1000x1024xf32, #tpu.memory_space<hbm>>
    tpu.enqueue_indirect_dma source(%dma_start3A_12 : memref<1000x1024xf32, #tpu.memory_space<hbm>>) target(%arg11 : memref<40x1024xf32, #tpu.memory_space<vmem>>) offsets(%dma_start3A_9 : memref<40xi32, #tpu.memory_space<vmem>>) semaphore(%arg15 : memref<!tpu.dma_semaphore, #tpu.memory_space<semaphore_mem>>)
    %dma_wait3A = arith.constant 0 : i32
    %dma_wait3A_13 = tpu.memref_slice %arg8[%dma_wait3A] : memref<6416xi32, #tpu.memory_space<vmem>> -> memref<40xi32, #tpu.memory_space<vmem>>
    %dma_wait3A_14 = arith.constant 0 : i32
    %dma_wait3A_15 = arith.constant 0 : i32
    %dma_wait3A_16 = tpu.memref_slice %arg2[%dma_wait3A_14, %dma_wait3A_15] : memref<1000x1024xf32, #tpu.memory_space<hbm>> -> memref<1000x1024xf32, #tpu.memory_space<hbm>>
    tpu.wait_indirect_dma semaphore(%arg14 : memref<!tpu.dma_semaphore, #tpu.memory_space<semaphore_mem>>) src(%dma_wait3A_16 : memref<1000x1024xf32, #tpu.memory_space<hbm>>) dst(%arg10 : memref<40x1024xf32, #tpu.memory_space<vmem>>)
    %mul3A_17 = arith.constant 32 : i32
    %mul3A_18 = arith.muli %add3A, %mul3A_17 : i32
    %add3A_19 = arith.constant 0 : i32
    %add3A_20 = arith.addi %mul3A_18, %add3A_19 : i32
    %dma_start3A_21 = arith.constant 0 : i32
    %dma_start3A_22 = arith.constant 0 : i32
    %dma_start3A_23 = tpu.memref_slice %arg6[%add3A_20, %dma_start3A_21, %dma_start3A_22] : memref<1024x200x1024xf32, #tpu.memory_space<hbm>> -> memref<1x40x1024xf32, #tpu.memory_space<hbm>>
    %dma_start3A_24 = tpu.memref_squeeze %dma_start3A_23 : memref<1x40x1024xf32, #tpu.memory_space<hbm>> -> memref<40x1024xf32, #tpu.memory_space<hbm>>
    %dma_start3A_25 = arith.constant 0 : i32
    %dma_start3A_26 = arith.constant 0 : i32
    %dma_start3A_27 = tpu.memref_slice %arg6[%add3A_20, %dma_start3A_25, %dma_start3A_26] : memref<1024x200x1024xf32, #tpu.memory_space<hbm>> -> memref<1x40x1024xf32, #tpu.memory_space<hbm>>
    %dma_start3A_28 = tpu.memref_squeeze %dma_start3A_27 : memref<1x40x1024xf32, #tpu.memory_space<hbm>> -> memref<40x1024xf32, #tpu.memory_space<hbm>>
    tpu.enqueue_dma source(%arg10 : memref<40x1024xf32, #tpu.memory_space<vmem>>) target(%dma_start3A_28 : memref<40x1024xf32, #tpu.memory_space<hbm>>) target_semaphore(%arg16 : memref<!tpu.dma_semaphore, #tpu.memory_space<semaphore_mem>>)
    %get3A = arith.constant 0 : index
    %get3A_29 = tpu.vector_load %arg8[%get3A] {strides = array<i32>} : memref<6416xi32, #tpu.memory_space<vmem>>, vector<16xi32>,
    %get3A_30 = arith.constant 0 : index
    %get3A_31 = tpu.vector_load %arg9[%get3A_30] {strides = array<i32>} : memref<6416xi32, #tpu.memory_space<vmem>>, vector<16xi32>,
    %add3A_32 = arith.constant 0 : i32
    %add3A_33 = vector.broadcast %add3A_32 : i32 to vector<16xi32>
    %add3A_34 = arith.addi %iota3A, %add3A_33 : vector<16xi32>
    %gather3A = tpu.vector_load_idx %arg12[%get3A_29] : memref<1000xf32, #tpu.memory_space<vmem>>[vector<16xi32>], vector<16xf32>,
    %gather3A_35 = tpu.vector_load_idx %arg10[%add3A_34, %get3A_31] : memref<40x1024xf32, #tpu.memory_space<vmem>>[vector<16xi32>, vector<16xi32>], vector<16xf32>,
    %sub3A = arith.subf %gather3A, %gather3A_35 : vector<16xf32>
    %add3A_36 = arith.addf %broadcast_in_dim3A_3, %sub3A : vector<16xf32>
    %get3A_37 = arith.constant 16 : index
    %get3A_38 = tpu.vector_load %arg8[%get3A_37] {strides = array<i32>} : memref<6416xi32, #tpu.memory_space<vmem>>, vector<16xi32>,
    %get3A_39 = arith.constant 16 : index
    %get3A_40 = tpu.vector_load %arg9[%get3A_39] {strides = array<i32>} : memref<6416xi32, #tpu.memory_space<vmem>>, vector<16xi32>,
    %add3A_41 = arith.constant 16 : i32
    %add3A_42 = vector.broadcast %add3A_41 : i32 to vector<16xi32>
    %add3A_43 = arith.addi %iota3A, %add3A_42 : vector<16xi32>
    %gather3A_44 = tpu.vector_load_idx %arg12[%get3A_38] : memref<1000xf32, #tpu.memory_space<vmem>>[vector<16xi32>], vector<16xf32>,
    %gather3A_45 = tpu.vector_load_idx %arg10[%add3A_43, %get3A_40] : memref<40x1024xf32, #tpu.memory_space<vmem>>[vector<16xi32>, vector<16xi32>], vector<16xf32>,
    %sub3A_46 = arith.subf %gather3A_44, %gather3A_45 : vector<16xf32>
    %add3A_47 = arith.addf %add3A_36, %sub3A_46 : vector<16xf32>
    %get3A_48 = arith.constant 32 : index
    %get3A_49 = tpu.vector_load %arg8[%get3A_48] {strides = array<i32>} : memref<6416xi32, #tpu.memory_space<vmem>>, vector<16xi32>,
    %get3A_50 = arith.constant 32 : index
    %get3A_51 = tpu.vector_load %arg9[%get3A_50] {strides = array<i32>} : memref<6416xi32, #tpu.memory_space<vmem>>, vector<16xi32>,
    %add3A_52 = arith.constant 32 : i32
    %add3A_53 = vector.broadcast %add3A_52 : i32 to vector<16xi32>
    %add3A_54 = arith.addi %iota3A, %add3A_53 : vector<16xi32>
    %gather3A_55 = tpu.vector_load_idx %arg12[%get3A_49] masked %lt3A_2 : memref<1000xf32, #tpu.memory_space<vmem>>[vector<16xi32>], vector<16xf32>, vector<16xi1>
    %gather3A_56 = tpu.vector_load_idx %arg10[%add3A_54, %get3A_51] masked %lt3A_2 : memref<40x1024xf32, #tpu.memory_space<vmem>>[vector<16xi32>, vector<16xi32>], vector<16xf32>, vector<16xi1>
    %sub3A_57 = arith.subf %gather3A_55, %gather3A_56 : vector<16xf32>
    %jit3A = arith.constant 0.000000e+00 : f32
    %broadcast_in_dim3A_58 = vector.broadcast %jit3A : f32 to vector<16xf32>
    %select_n3A = arith.select %lt3A_2, %sub3A_57, %broadcast_in_dim3A_58 : vector<16xi1>, vector<16xf32>
    %add3A_59 = arith.addf %add3A_47, %select_n3A : vector<16xf32>
    %scan3A = arith.constant 0 : i32
    %scan3A_60 = arith.constant 79 : i32
    %scan3A_61 = arith.addi %scan3A, %scan3A_60 : i32
    %scan3A_62 = arith.constant 1 : i32
    %scan3A_63 = scf.for %scan3A_143 = %scan3A to %scan3A_61 step %scan3A_62 iter_args(%scan3A_144 = %add3A_59) -> (vector<16xf32>)  : i32 {
      %mul3A_145 = arith.constant 2 : i32
      %mul3A_146 = arith.muli %mul3A_145, %scan3A_143 : i32
      %add3A_147 = arith.constant 1 : i32
      %add3A_148 = arith.addi %mul3A_146, %add3A_147 : i32
      %sub3A_149 = arith.constant 1 : i32
      %sub3A_150 = arith.subi %add3A_148, %sub3A_149 : i32
      %mul3A_151 = arith.constant 32 : i32
      %mul3A_152 = arith.muli %add3A, %mul3A_151 : i32
      %jit3A_153 = arith.constant 5 : i32
      %div3A = arith.divsi %sub3A_150, %jit3A_153 : i32
      %sign3A = arith.constant 0 : i32
      %sign3A_154 = arith.cmpi sgt, %sub3A_150, %sign3A : i32
      %sign3A_155 = arith.extui %sign3A_154 : i1 to i32
      %sign3A_156 = arith.constant 0 : i32
      %sign3A_157 = arith.cmpi slt, %sub3A_150, %sign3A_156 : i32
      %sign3A_158 = arith.extui %sign3A_157 : i1 to i32
      %sign3A_159 = arith.subi %sign3A_155, %sign3A_158 : i32
      %sign3A_160 = arith.constant 0 : i32
      %sign3A_161 = arith.cmpi sgt, %jit3A_153, %sign3A_160 : i32
      %sign3A_162 = arith.extui %sign3A_161 : i1 to i32
      %sign3A_163 = arith.constant 0 : i32
      %sign3A_164 = arith.cmpi slt, %jit3A_153, %sign3A_163 : i32
      %sign3A_165 = arith.extui %sign3A_164 : i1 to i32
      %sign3A_166 = arith.subi %sign3A_162, %sign3A_165 : i32
      %ne3A = arith.cmpi ne, %sign3A_159, %sign3A_166 : i32
      %rem3A = arith.remsi %sub3A_150, %jit3A_153 : i32
      %ne3A_167 = arith.constant 0 : i32
      %ne3A_168 = arith.cmpi ne, %rem3A, %ne3A_167 : i32
      %and3A = arith.andi %ne3A, %ne3A_168 : i1
      %sub3A_169 = arith.constant 1 : i32
      %sub3A_170 = arith.subi %div3A, %sub3A_169 : i32
      %select_n3A_171 = arith.select %and3A, %sub3A_170, %div3A : i32
      %add3A_172 = arith.addi %mul3A_152, %select_n3A_171 : i32
      %jit3A_173 = arith.constant 5 : i32
      %eq3A = arith.constant 0 : i32
      %eq3A_174 = arith.cmpi eq, %jit3A_173, %eq3A : i32
      %jit3A_175 = arith.constant 1 : i32
      %select_n3A_176 = arith.select %eq3A_174, %jit3A_175, %jit3A_173 : i32
      %rem3A_177 = arith.remsi %sub3A_150, %select_n3A_176 : i32
      %ne3A_178 = arith.constant 0 : i32
      %ne3A_179 = arith.cmpi ne, %rem3A_177, %ne3A_178 : i32
      %lt3A_180 = arith.constant 0 : i32
      %lt3A_181 = arith.cmpi slt, %rem3A_177, %lt3A_180 : i32
      %lt3A_182 = arith.constant 0 : i32
      %lt3A_183 = arith.cmpi slt, %select_n3A_176, %lt3A_182 : i32
      %ne3A_184 = arith.xori %lt3A_181, %lt3A_183 : i1
      %and3A_185 = arith.andi %ne3A_184, %ne3A_179 : i1
      %add3A_186 = arith.addi %rem3A_177, %select_n3A_176 : i32
      %select_n3A_187 = arith.select %and3A_185, %add3A_186, %rem3A_177 : i32
      %mul3A_188 = arith.constant 40 : i32
      %mul3A_189 = arith.muli %select_n3A_187, %mul3A_188 : i32
      %dma_wait3A_190 = arith.constant 0 : i32
      %dma_wait3A_191 = tpu.memref_slice %arg6[%add3A_172, %mul3A_189, %dma_wait3A_190] : memref<1024x200x1024xf32, #tpu.memory_space<hbm>> -> memref<1x40x1024xf32, #tpu.memory_space<hbm>>
      %dma_wait3A_192 = tpu.memref_squeeze %dma_wait3A_191 : memref<1x40x1024xf32, #tpu.memory_space<hbm>> -> memref<40x1024xf32, #tpu.memory_space<hbm>>
      %dma_wait3A_193 = arith.constant 0 : i32
      %dma_wait3A_194 = tpu.memref_slice %arg6[%add3A_172, %mul3A_189, %dma_wait3A_193] : memref<1024x200x1024xf32, #tpu.memory_space<hbm>> -> memref<1x40x1024xf32, #tpu.memory_space<hbm>>
      %dma_wait3A_195 = tpu.memref_squeeze %dma_wait3A_194 : memref<1x40x1024xf32, #tpu.memory_space<hbm>> -> memref<40x1024xf32, #tpu.memory_space<hbm>>
      tpu.wait_dma2 semaphore(%arg16 : memref<!tpu.dma_semaphore, #tpu.memory_space<semaphore_mem>>) src(%arg10 : memref<40x1024xf32, #tpu.memory_space<vmem>>) dst(%dma_wait3A_195 : memref<40x1024xf32, #tpu.memory_space<hbm>>)
      %add3A_196 = arith.constant 1 : i32
      %add3A_197 = arith.addi %add3A_148, %add3A_196 : i32
      %mul3A_198 = arith.constant 40 : i32
      %mul3A_199 = arith.muli %add3A_197, %mul3A_198 : i32
      %dma_start3A_200 = tpu.memref_slice %arg8[%mul3A_199] : memref<6416xi32, #tpu.memory_space<vmem>> -> memref<40xi32, #tpu.memory_space<vmem>>
      %dma_start3A_201 = arith.constant 0 : i32
      %dma_start3A_202 = arith.constant 0 : i32
      %dma_start3A_203 = tpu.memref_slice %arg2[%dma_start3A_201, %dma_start3A_202] : memref<1000x1024xf32, #tpu.memory_space<hbm>> -> memref<1000x1024xf32, #tpu.memory_space<hbm>>
      tpu.enqueue_indirect_dma source(%dma_start3A_203 : memref<1000x1024xf32, #tpu.memory_space<hbm>>) target(%arg10 : memref<40x1024xf32, #tpu.memory_space<vmem>>) offsets(%dma_start3A_200 : memref<40xi32, #tpu.memory_space<vmem>>) semaphore(%arg14 : memref<!tpu.dma_semaphore, #tpu.memory_space<semaphore_mem>>)
      %mul3A_204 = arith.constant 40 : i32
      %mul3A_205 = arith.muli %add3A_148, %mul3A_204 : i32
      %dma_wait3A_206 = tpu.memref_slice %arg8[%mul3A_205] : memref<6416xi32, #tpu.memory_space<vmem>> -> memref<40xi32, #tpu.memory_space<vmem>>
      %dma_wait3A_207 = arith.constant 0 : i32
      %dma_wait3A_208 = arith.constant 0 : i32
      %dma_wait3A_209 = tpu.memref_slice %arg2[%dma_wait3A_207, %dma_wait3A_208] : memref<1000x1024xf32, #tpu.memory_space<hbm>> -> memref<1000x1024xf32, #tpu.memory_space<hbm>>
      tpu.wait_indirect_dma semaphore(%arg15 : memref<!tpu.dma_semaphore, #tpu.memory_space<semaphore_mem>>) src(%dma_wait3A_209 : memref<1000x1024xf32, #tpu.memory_space<hbm>>) dst(%arg11 : memref<40x1024xf32, #tpu.memory_space<vmem>>)
      %mul3A_210 = arith.constant 32 : i32
      %mul3A_211 = arith.muli %add3A, %mul3A_210 : i32
      %jit3A_212 = arith.constant 5 : i32
      %div3A_213 = arith.divsi %add3A_148, %jit3A_212 : i32
      %sign3A_214 = arith.constant 0 : i32
      %sign3A_215 = arith.cmpi sgt, %add3A_148, %sign3A_214 : i32
      %sign3A_216 = arith.extui %sign3A_215 : i1 to i32
      %sign3A_217 = arith.constant 0 : i32
      %sign3A_218 = arith.cmpi slt, %add3A_148, %sign3A_217 : i32
      %sign3A_219 = arith.extui %sign3A_218 : i1 to i32
      %sign3A_220 = arith.subi %sign3A_216, %sign3A_219 : i32
      %sign3A_221 = arith.constant 0 : i32
      %sign3A_222 = arith.cmpi sgt, %jit3A_212, %sign3A_221 : i32
      %sign3A_223 = arith.extui %sign3A_222 : i1 to i32
      %sign3A_224 = arith.constant 0 : i32
      %sign3A_225 = arith.cmpi slt, %jit3A_212, %sign3A_224 : i32
      %sign3A_226 = arith.extui %sign3A_225 : i1 to i32
      %sign3A_227 = arith.subi %sign3A_223, %sign3A_226 : i32
      %ne3A_228 = arith.cmpi ne, %sign3A_220, %sign3A_227 : i32
      %rem3A_229 = arith.remsi %add3A_148, %jit3A_212 : i32
      %ne3A_230 = arith.constant 0 : i32
      %ne3A_231 = arith.cmpi ne, %rem3A_229, %ne3A_230 : i32
      %and3A_232 = arith.andi %ne3A_228, %ne3A_231 : i1
      %sub3A_233 = arith.constant 1 : i32
      %sub3A_234 = arith.subi %div3A_213, %sub3A_233 : i32
      %select_n3A_235 = arith.select %and3A_232, %sub3A_234, %div3A_213 : i32
      %add3A_236 = arith.addi %mul3A_211, %select_n3A_235 : i32
      %jit3A_237 = arith.constant 5 : i32
      %eq3A_238 = arith.constant 0 : i32
      %eq3A_239 = arith.cmpi eq, %jit3A_237, %eq3A_238 : i32
      %jit3A_240 = arith.constant 1 : i32
      %select_n3A_241 = arith.select %eq3A_239, %jit3A_240, %jit3A_237 : i32
      %rem3A_242 = arith.remsi %add3A_148, %select_n3A_241 : i32
      %ne3A_243 = arith.constant 0 : i32
      %ne3A_244 = arith.cmpi ne, %rem3A_242, %ne3A_243 : i32
      %lt3A_245 = arith.constant 0 : i32
      %lt3A_246 = arith.cmpi slt, %rem3A_242, %lt3A_245 : i32
      %lt3A_247 = arith.constant 0 : i32
      %lt3A_248 = arith.cmpi slt, %select_n3A_241, %lt3A_247 : i32
      %ne3A_249 = arith.xori %lt3A_246, %lt3A_248 : i1
      %and3A_250 = arith.andi %ne3A_249, %ne3A_244 : i1
      %add3A_251 = arith.addi %rem3A_242, %select_n3A_241 : i32
      %select_n3A_252 = arith.select %and3A_250, %add3A_251, %rem3A_242 : i32
      %mul3A_253 = arith.constant 40 : i32
      %mul3A_254 = arith.muli %select_n3A_252, %mul3A_253 : i32
      %dma_start3A_255 = arith.constant 0 : i32
      %dma_start3A_256 = tpu.memref_slice %arg6[%add3A_236, %mul3A_254, %dma_start3A_255] : memref<1024x200x1024xf32, #tpu.memory_space<hbm>> -> memref<1x40x1024xf32, #tpu.memory_space<hbm>>
      %dma_start3A_257 = tpu.memref_squeeze %dma_start3A_256 : memref<1x40x1024xf32, #tpu.memory_space<hbm>> -> memref<40x1024xf32, #tpu.memory_space<hbm>>
      %dma_start3A_258 = arith.constant 0 : i32
      %dma_start3A_259 = tpu.memref_slice %arg6[%add3A_236, %mul3A_254, %dma_start3A_258] : memref<1024x200x1024xf32, #tpu.memory_space<hbm>> -> memref<1x40x1024xf32, #tpu.memory_space<hbm>>
      %dma_start3A_260 = tpu.memref_squeeze %dma_start3A_259 : memref<1x40x1024xf32, #tpu.memory_space<hbm>> -> memref<40x1024xf32, #tpu.memory_space<hbm>>
      tpu.enqueue_dma source(%arg11 : memref<40x1024xf32, #tpu.memory_space<vmem>>) target(%dma_start3A_260 : memref<40x1024xf32, #tpu.memory_space<hbm>>) target_semaphore(%arg17 : memref<!tpu.dma_semaphore, #tpu.memory_space<semaphore_mem>>)
      %mul3A_261 = arith.constant 40 : i32
      %mul3A_262 = arith.muli %add3A_148, %mul3A_261 : i32
      %add3A_263 = arith.constant 0 : i32
      %add3A_264 = arith.addi %mul3A_262, %add3A_263 : i32
      %get3A_265 = arith.index_cast %add3A_264 : i32 to index
      %get3A_266 = tpu.vector_load %arg8[%get3A_265] {strides = array<i32>} : memref<6416xi32, #tpu.memory_space<vmem>>, vector<16xi32>,
      %get3A_267 = arith.index_cast %add3A_264 : i32 to index
      %get3A_268 = tpu.vector_load %arg9[%get3A_267] {strides = array<i32>} : memref<6416xi32, #tpu.memory_space<vmem>>, vector<16xi32>,
      %add3A_269 = arith.constant 0 : i32
      %add3A_270 = vector.broadcast %add3A_269 : i32 to vector<16xi32>
      %add3A_271 = arith.addi %iota3A, %add3A_270 : vector<16xi32>
      %gather3A_272 = tpu.vector_load_idx %arg12[%get3A_266] : memref<1000xf32, #tpu.memory_space<vmem>>[vector<16xi32>], vector<16xf32>,
      %gather3A_273 = tpu.vector_load_idx %arg11[%add3A_271, %get3A_268] : memref<40x1024xf32, #tpu.memory_space<vmem>>[vector<16xi32>, vector<16xi32>], vector<16xf32>,
      %sub3A_274 = arith.subf %gather3A_272, %gather3A_273 : vector<16xf32>
      %add3A_275 = arith.addf %scan3A_144, %sub3A_274 : vector<16xf32>
      %add3A_276 = arith.constant 16 : i32
      %add3A_277 = arith.addi %mul3A_262, %add3A_276 : i32
      %get3A_278 = arith.index_cast %add3A_277 : i32 to index
      %get3A_279 = tpu.vector_load %arg8[%get3A_278] {strides = array<i32>} : memref<6416xi32, #tpu.memory_space<vmem>>, vector<16xi32>,
      %get3A_280 = arith.index_cast %add3A_277 : i32 to index
      %get3A_281 = tpu.vector_load %arg9[%get3A_280] {strides = array<i32>} : memref<6416xi32, #tpu.memory_space<vmem>>, vector<16xi32>,
      %add3A_282 = arith.constant 16 : i32
      %add3A_283 = vector.broadcast %add3A_282 : i32 to vector<16xi32>
      %add3A_284 = arith.addi %iota3A, %add3A_283 : vector<16xi32>
      %gather3A_285 = tpu.vector_load_idx %arg12[%get3A_279] : memref<1000xf32, #tpu.memory_space<vmem>>[vector<16xi32>], vector<16xf32>,
      %gather3A_286 = tpu.vector_load_idx %arg11[%add3A_284, %get3A_281] : memref<40x1024xf32, #tpu.memory_space<vmem>>[vector<16xi32>, vector<16xi32>], vector<16xf32>,
      %sub3A_287 = arith.subf %gather3A_285, %gather3A_286 : vector<16xf32>
      %add3A_288 = arith.addf %add3A_275, %sub3A_287 : vector<16xf32>
      %add3A_289 = arith.constant 32 : i32
      %add3A_290 = arith.addi %mul3A_262, %add3A_289 : i32
      %get3A_291 = arith.index_cast %add3A_290 : i32 to index
      %get3A_292 = tpu.vector_load %arg8[%get3A_291] {strides = array<i32>} : memref<6416xi32, #tpu.memory_space<vmem>>, vector<16xi32>,
      %get3A_293 = arith.index_cast %add3A_290 : i32 to index
      %get3A_294 = tpu.vector_load %arg9[%get3A_293] {strides = array<i32>} : memref<6416xi32, #tpu.memory_space<vmem>>, vector<16xi32>,
      %add3A_295 = arith.constant 32 : i32
      %add3A_296 = vector.broadcast %add3A_295 : i32 to vector<16xi32>
      %add3A_297 = arith.addi %iota3A, %add3A_296 : vector<16xi32>
      %gather3A_298 = tpu.vector_load_idx %arg12[%get3A_292] masked %lt3A_2 : memref<1000xf32, #tpu.memory_space<vmem>>[vector<16xi32>], vector<16xf32>, vector<16xi1>
      %gather3A_299 = tpu.vector_load_idx %arg11[%add3A_297, %get3A_294] masked %lt3A_2 : memref<40x1024xf32, #tpu.memory_space<vmem>>[vector<16xi32>, vector<16xi32>], vector<16xf32>, vector<16xi1>
      %sub3A_300 = arith.subf %gather3A_298, %gather3A_299 : vector<16xf32>
      %jit3A_301 = arith.constant 0.000000e+00 : f32
      %broadcast_in_dim3A_302 = vector.broadcast %jit3A_301 : f32 to vector<16xf32>
      %select_n3A_303 = arith.select %lt3A_2, %sub3A_300, %broadcast_in_dim3A_302 : vector<16xi1>, vector<16xf32>
      %add3A_304 = arith.addf %add3A_288, %select_n3A_303 : vector<16xf32>
      %mul3A_305 = arith.constant 2 : i32
      %mul3A_306 = arith.muli %mul3A_305, %scan3A_143 : i32
      %add3A_307 = arith.constant 2 : i32
      %add3A_308 = arith.addi %mul3A_306, %add3A_307 : i32
      %sub3A_309 = arith.constant 1 : i32
      %sub3A_310 = arith.subi %add3A_308, %sub3A_309 : i32
      %mul3A_311 = arith.constant 32 : i32
      %mul3A_312 = arith.muli %add3A, %mul3A_311 : i32
      %jit3A_313 = arith.constant 5 : i32
      %div3A_314 = arith.divsi %sub3A_310, %jit3A_313 : i32
      %sign3A_315 = arith.constant 0 : i32
      %sign3A_316 = arith.cmpi sgt, %sub3A_310, %sign3A_315 : i32
      %sign3A_317 = arith.extui %sign3A_316 : i1 to i32
      %sign3A_318 = arith.constant 0 : i32
      %sign3A_319 = arith.cmpi slt, %sub3A_310, %sign3A_318 : i32
      %sign3A_320 = arith.extui %sign3A_319 : i1 to i32
      %sign3A_321 = arith.subi %sign3A_317, %sign3A_320 : i32
      %sign3A_322 = arith.constant 0 : i32
      %sign3A_323 = arith.cmpi sgt, %jit3A_313, %sign3A_322 : i32
      %sign3A_324 = arith.extui %sign3A_323 : i1 to i32
      %sign3A_325 = arith.constant 0 : i32
      %sign3A_326 = arith.cmpi slt, %jit3A_313, %sign3A_325 : i32
      %sign3A_327 = arith.extui %sign3A_326 : i1 to i32
      %sign3A_328 = arith.subi %sign3A_324, %sign3A_327 : i32
      %ne3A_329 = arith.cmpi ne, %sign3A_321, %sign3A_328 : i32
      %rem3A_330 = arith.remsi %sub3A_310, %jit3A_313 : i32
      %ne3A_331 = arith.constant 0 : i32
      %ne3A_332 = arith.cmpi ne, %rem3A_330, %ne3A_331 : i32
      %and3A_333 = arith.andi %ne3A_329, %ne3A_332 : i1
      %sub3A_334 = arith.constant 1 : i32
      %sub3A_335 = arith.subi %div3A_314, %sub3A_334 : i32
      %select_n3A_336 = arith.select %and3A_333, %sub3A_335, %div3A_314 : i32
      %add3A_337 = arith.addi %mul3A_312, %select_n3A_336 : i32
      %jit3A_338 = arith.constant 5 : i32
      %eq3A_339 = arith.constant 0 : i32
      %eq3A_340 = arith.cmpi eq, %jit3A_338, %eq3A_339 : i32
      %jit3A_341 = arith.constant 1 : i32
      %select_n3A_342 = arith.select %eq3A_340, %jit3A_341, %jit3A_338 : i32
      %rem3A_343 = arith.remsi %sub3A_310, %select_n3A_342 : i32
      %ne3A_344 = arith.constant 0 : i32
      %ne3A_345 = arith.cmpi ne, %rem3A_343, %ne3A_344 : i32
      %lt3A_346 = arith.constant 0 : i32
      %lt3A_347 = arith.cmpi slt, %rem3A_343, %lt3A_346 : i32
      %lt3A_348 = arith.constant 0 : i32
      %lt3A_349 = arith.cmpi slt, %select_n3A_342, %lt3A_348 : i32
      %ne3A_350 = arith.xori %lt3A_347, %lt3A_349 : i1
      %and3A_351 = arith.andi %ne3A_350, %ne3A_345 : i1
      %add3A_352 = arith.addi %rem3A_343, %select_n3A_342 : i32
      %select_n3A_353 = arith.select %and3A_351, %add3A_352, %rem3A_343 : i32
      %mul3A_354 = arith.constant 40 : i32
      %mul3A_355 = arith.muli %select_n3A_353, %mul3A_354 : i32
      %dma_wait3A_356 = arith.constant 0 : i32
      %dma_wait3A_357 = tpu.memref_slice %arg6[%add3A_337, %mul3A_355, %dma_wait3A_356] : memref<1024x200x1024xf32, #tpu.memory_space<hbm>> -> memref<1x40x1024xf32, #tpu.memory_space<hbm>>
      %dma_wait3A_358 = tpu.memref_squeeze %dma_wait3A_357 : memref<1x40x1024xf32, #tpu.memory_space<hbm>> -> memref<40x1024xf32, #tpu.memory_space<hbm>>
      %dma_wait3A_359 = arith.constant 0 : i32
      %dma_wait3A_360 = tpu.memref_slice %arg6[%add3A_337, %mul3A_355, %dma_wait3A_359] : memref<1024x200x1024xf32, #tpu.memory_space<hbm>> -> memref<1x40x1024xf32, #tpu.memory_space<hbm>>
      %dma_wait3A_361 = tpu.memref_squeeze %dma_wait3A_360 : memref<1x40x1024xf32, #tpu.memory_space<hbm>> -> memref<40x1024xf32, #tpu.memory_space<hbm>>
      tpu.wait_dma2 semaphore(%arg17 : memref<!tpu.dma_semaphore, #tpu.memory_space<semaphore_mem>>) src(%arg11 : memref<40x1024xf32, #tpu.memory_space<vmem>>) dst(%dma_wait3A_361 : memref<40x1024xf32, #tpu.memory_space<hbm>>)
      %add3A_362 = arith.constant 1 : i32
      %add3A_363 = arith.addi %add3A_308, %add3A_362 : i32
      %mul3A_364 = arith.constant 40 : i32
      %mul3A_365 = arith.muli %add3A_363, %mul3A_364 : i32
      %dma_start3A_366 = tpu.memref_slice %arg8[%mul3A_365] : memref<6416xi32, #tpu.memory_space<vmem>> -> memref<40xi32, #tpu.memory_space<vmem>>
      %dma_start3A_367 = arith.constant 0 : i32
      %dma_start3A_368 = arith.constant 0 : i32
      %dma_start3A_369 = tpu.memref_slice %arg2[%dma_start3A_367, %dma_start3A_368] : memref<1000x1024xf32, #tpu.memory_space<hbm>> -> memref<1000x1024xf32, #tpu.memory_space<hbm>>
      tpu.enqueue_indirect_dma source(%dma_start3A_369 : memref<1000x1024xf32, #tpu.memory_space<hbm>>) target(%arg11 : memref<40x1024xf32, #tpu.memory_space<vmem>>) offsets(%dma_start3A_366 : memref<40xi32, #tpu.memory_space<vmem>>) semaphore(%arg15 : memref<!tpu.dma_semaphore, #tpu.memory_space<semaphore_mem>>)
      %mul3A_370 = arith.constant 40 : i32
      %mul3A_371 = arith.muli %add3A_308, %mul3A_370 : i32
      %dma_wait3A_372 = tpu.memref_slice %arg8[%mul3A_371] : memref<6416xi32, #tpu.memory_space<vmem>> -> memref<40xi32, #tpu.memory_space<vmem>>
      %dma_wait3A_373 = arith.constant 0 : i32
      %dma_wait3A_374 = arith.constant 0 : i32
      %dma_wait3A_375 = tpu.memref_slice %arg2[%dma_wait3A_373, %dma_wait3A_374] : memref<1000x1024xf32, #tpu.memory_space<hbm>> -> memref<1000x1024xf32, #tpu.memory_space<hbm>>
      tpu.wait_indirect_dma semaphore(%arg14 : memref<!tpu.dma_semaphore, #tpu.memory_space<semaphore_mem>>) src(%dma_wait3A_375 : memref<1000x1024xf32, #tpu.memory_space<hbm>>) dst(%arg10 : memref<40x1024xf32, #tpu.memory_space<vmem>>)
      %mul3A_376 = arith.constant 32 : i32
      %mul3A_377 = arith.muli %add3A, %mul3A_376 : i32
      %jit3A_378 = arith.constant 5 : i32
      %div3A_379 = arith.divsi %add3A_308, %jit3A_378 : i32
      %sign3A_380 = arith.constant 0 : i32
      %sign3A_381 = arith.cmpi sgt, %add3A_308, %sign3A_380 : i32
      %sign3A_382 = arith.extui %sign3A_381 : i1 to i32
      %sign3A_383 = arith.constant 0 : i32
      %sign3A_384 = arith.cmpi slt, %add3A_308, %sign3A_383 : i32
      %sign3A_385 = arith.extui %sign3A_384 : i1 to i32
      %sign3A_386 = arith.subi %sign3A_382, %sign3A_385 : i32
      %sign3A_387 = arith.constant 0 : i32
      %sign3A_388 = arith.cmpi sgt, %jit3A_378, %sign3A_387 : i32
      %sign3A_389 = arith.extui %sign3A_388 : i1 to i32
      %sign3A_390 = arith.constant 0 : i32
      %sign3A_391 = arith.cmpi slt, %jit3A_378, %sign3A_390 : i32
      %sign3A_392 = arith.extui %sign3A_391 : i1 to i32
      %sign3A_393 = arith.subi %sign3A_389, %sign3A_392 : i32
      %ne3A_394 = arith.cmpi ne, %sign3A_386, %sign3A_393 : i32
      %rem3A_395 = arith.remsi %add3A_308, %jit3A_378 : i32
      %ne3A_396 = arith.constant 0 : i32
      %ne3A_397 = arith.cmpi ne, %rem3A_395, %ne3A_396 : i32
      %and3A_398 = arith.andi %ne3A_394, %ne3A_397 : i1
      %sub3A_399 = arith.constant 1 : i32
      %sub3A_400 = arith.subi %div3A_379, %sub3A_399 : i32
      %select_n3A_401 = arith.select %and3A_398, %sub3A_400, %div3A_379 : i32
      %add3A_402 = arith.addi %mul3A_377, %select_n3A_401 : i32
      %jit3A_403 = arith.constant 5 : i32
      %eq3A_404 = arith.constant 0 : i32
      %eq3A_405 = arith.cmpi eq, %jit3A_403, %eq3A_404 : i32
      %jit3A_406 = arith.constant 1 : i32
      %select_n3A_407 = arith.select %eq3A_405, %jit3A_406, %jit3A_403 : i32
      %rem3A_408 = arith.remsi %add3A_308, %select_n3A_407 : i32
      %ne3A_409 = arith.constant 0 : i32
      %ne3A_410 = arith.cmpi ne, %rem3A_408, %ne3A_409 : i32
      %lt3A_411 = arith.constant 0 : i32
      %lt3A_412 = arith.cmpi slt, %rem3A_408, %lt3A_411 : i32
      %lt3A_413 = arith.constant 0 : i32
      %lt3A_414 = arith.cmpi slt, %select_n3A_407, %lt3A_413 : i32
      %ne3A_415 = arith.xori %lt3A_412, %lt3A_414 : i1
      %and3A_416 = arith.andi %ne3A_415, %ne3A_410 : i1
      %add3A_417 = arith.addi %rem3A_408, %select_n3A_407 : i32
      %select_n3A_418 = arith.select %and3A_416, %add3A_417, %rem3A_408 : i32
      %mul3A_419 = arith.constant 40 : i32
      %mul3A_420 = arith.muli %select_n3A_418, %mul3A_419 : i32
      %dma_start3A_421 = arith.constant 0 : i32
      %dma_start3A_422 = tpu.memref_slice %arg6[%add3A_402, %mul3A_420, %dma_start3A_421] : memref<1024x200x1024xf32, #tpu.memory_space<hbm>> -> memref<1x40x1024xf32, #tpu.memory_space<hbm>>
      %dma_start3A_423 = tpu.memref_squeeze %dma_start3A_422 : memref<1x40x1024xf32, #tpu.memory_space<hbm>> -> memref<40x1024xf32, #tpu.memory_space<hbm>>
      %dma_start3A_424 = arith.constant 0 : i32
      %dma_start3A_425 = tpu.memref_slice %arg6[%add3A_402, %mul3A_420, %dma_start3A_424] : memref<1024x200x1024xf32, #tpu.memory_space<hbm>> -> memref<1x40x1024xf32, #tpu.memory_space<hbm>>
      %dma_start3A_426 = tpu.memref_squeeze %dma_start3A_425 : memref<1x40x1024xf32, #tpu.memory_space<hbm>> -> memref<40x1024xf32, #tpu.memory_space<hbm>>
      tpu.enqueue_dma source(%arg10 : memref<40x1024xf32, #tpu.memory_space<vmem>>) target(%dma_start3A_426 : memref<40x1024xf32, #tpu.memory_space<hbm>>) target_semaphore(%arg16 : memref<!tpu.dma_semaphore, #tpu.memory_space<semaphore_mem>>)
      %mul3A_427 = arith.constant 40 : i32
      %mul3A_428 = arith.muli %add3A_308, %mul3A_427 : i32
      %add3A_429 = arith.constant 0 : i32
      %add3A_430 = arith.addi %mul3A_428, %add3A_429 : i32
      %get3A_431 = arith.index_cast %add3A_430 : i32 to index
      %get3A_432 = tpu.vector_load %arg8[%get3A_431] {strides = array<i32>} : memref<6416xi32, #tpu.memory_space<vmem>>, vector<16xi32>,
      %get3A_433 = arith.index_cast %add3A_430 : i32 to index
      %get3A_434 = tpu.vector_load %arg9[%get3A_433] {strides = array<i32>} : memref<6416xi32, #tpu.memory_space<vmem>>, vector<16xi32>,
      %add3A_435 = arith.constant 0 : i32
      %add3A_436 = vector.broadcast %add3A_435 : i32 to vector<16xi32>
      %add3A_437 = arith.addi %iota3A, %add3A_436 : vector<16xi32>
      %gather3A_438 = tpu.vector_load_idx %arg12[%get3A_432] : memref<1000xf32, #tpu.memory_space<vmem>>[vector<16xi32>], vector<16xf32>,
      %gather3A_439 = tpu.vector_load_idx %arg10[%add3A_437, %get3A_434] : memref<40x1024xf32, #tpu.memory_space<vmem>>[vector<16xi32>, vector<16xi32>], vector<16xf32>,
      %sub3A_440 = arith.subf %gather3A_438, %gather3A_439 : vector<16xf32>
      %add3A_441 = arith.addf %add3A_304, %sub3A_440 : vector<16xf32>
      %add3A_442 = arith.constant 16 : i32
      %add3A_443 = arith.addi %mul3A_428, %add3A_442 : i32
      %get3A_444 = arith.index_cast %add3A_443 : i32 to index
      %get3A_445 = tpu.vector_load %arg8[%get3A_444] {strides = array<i32>} : memref<6416xi32, #tpu.memory_space<vmem>>, vector<16xi32>,
      %get3A_446 = arith.index_cast %add3A_443 : i32 to index
      %get3A_447 = tpu.vector_load %arg9[%get3A_446] {strides = array<i32>} : memref<6416xi32, #tpu.memory_space<vmem>>, vector<16xi32>,
      %add3A_448 = arith.constant 16 : i32
      %add3A_449 = vector.broadcast %add3A_448 : i32 to vector<16xi32>
      %add3A_450 = arith.addi %iota3A, %add3A_449 : vector<16xi32>
      %gather3A_451 = tpu.vector_load_idx %arg12[%get3A_445] : memref<1000xf32, #tpu.memory_space<vmem>>[vector<16xi32>], vector<16xf32>,
      %gather3A_452 = tpu.vector_load_idx %arg10[%add3A_450, %get3A_447] : memref<40x1024xf32, #tpu.memory_space<vmem>>[vector<16xi32>, vector<16xi32>], vector<16xf32>,
      %sub3A_453 = arith.subf %gather3A_451, %gather3A_452 : vector<16xf32>
      %add3A_454 = arith.addf %add3A_441, %sub3A_453 : vector<16xf32>
      %add3A_455 = arith.constant 32 : i32
      %add3A_456 = arith.addi %mul3A_428, %add3A_455 : i32
      %get3A_457 = arith.index_cast %add3A_456 : i32 to index
      %get3A_458 = tpu.vector_load %arg8[%get3A_457] {strides = array<i32>} : memref<6416xi32, #tpu.memory_space<vmem>>, vector<16xi32>,
      %get3A_459 = arith.index_cast %add3A_456 : i32 to index
      %get3A_460 = tpu.vector_load %arg9[%get3A_459] {strides = array<i32>} : memref<6416xi32, #tpu.memory_space<vmem>>, vector<16xi32>,
      %add3A_461 = arith.constant 32 : i32
      %add3A_462 = vector.broadcast %add3A_461 : i32 to vector<16xi32>
      %add3A_463 = arith.addi %iota3A, %add3A_462 : vector<16xi32>
      %gather3A_464 = tpu.vector_load_idx %arg12[%get3A_458] masked %lt3A_2 : memref<1000xf32, #tpu.memory_space<vmem>>[vector<16xi32>], vector<16xf32>, vector<16xi1>
      %gather3A_465 = tpu.vector_load_idx %arg10[%add3A_463, %get3A_460] masked %lt3A_2 : memref<40x1024xf32, #tpu.memory_space<vmem>>[vector<16xi32>, vector<16xi32>], vector<16xf32>, vector<16xi1>
      %sub3A_466 = arith.subf %gather3A_464, %gather3A_465 : vector<16xf32>
      %jit3A_467 = arith.constant 0.000000e+00 : f32
      %broadcast_in_dim3A_468 = vector.broadcast %jit3A_467 : f32 to vector<16xf32>
      %select_n3A_469 = arith.select %lt3A_2, %sub3A_466, %broadcast_in_dim3A_468 : vector<16xi1>, vector<16xf32>
      %add3A_470 = arith.addf %add3A_454, %select_n3A_469 : vector<16xf32>
      scf.yield %add3A_470 : vector<16xf32>
    }
    %scan3A_64 = arith.constant 79 : i32
    %mul3A_65 = arith.constant 32 : i32
    %mul3A_66 = arith.muli %add3A, %mul3A_65 : i32
    %add3A_67 = arith.constant 31 : i32
    %add3A_68 = arith.addi %mul3A_66, %add3A_67 : i32
    %dma_wait3A_69 = arith.constant 120 : i32
    %dma_wait3A_70 = arith.constant 0 : i32
    %dma_wait3A_71 = tpu.memref_slice %arg6[%add3A_68, %dma_wait3A_69, %dma_wait3A_70] : memref<1024x200x1024xf32, #tpu.memory_space<hbm>> -> memref<1x40x1024xf32, #tpu.memory_space<hbm>>
    %dma_wait3A_72 = tpu.memref_squeeze %dma_wait3A_71 : memref<1x40x1024xf32, #tpu.memory_space<hbm>> -> memref<40x1024xf32, #tpu.memory_space<hbm>>
    %dma_wait3A_73 = arith.constant 120 : i32
    %dma_wait3A_74 = arith.constant 0 : i32
    %dma_wait3A_75 = tpu.memref_slice %arg6[%add3A_68, %dma_wait3A_73, %dma_wait3A_74] : memref<1024x200x1024xf32, #tpu.memory_space<hbm>> -> memref<1x40x1024xf32, #tpu.memory_space<hbm>>
    %dma_wait3A_76 = tpu.memref_squeeze %dma_wait3A_75 : memref<1x40x1024xf32, #tpu.memory_space<hbm>> -> memref<40x1024xf32, #tpu.memory_space<hbm>>
    tpu.wait_dma2 semaphore(%arg16 : memref<!tpu.dma_semaphore, #tpu.memory_space<semaphore_mem>>) src(%arg10 : memref<40x1024xf32, #tpu.memory_space<vmem>>) dst(%dma_wait3A_76 : memref<40x1024xf32, #tpu.memory_space<hbm>>)
    %dma_wait3A_77 = arith.constant 6360 : i32
    %dma_wait3A_78 = tpu.memref_slice %arg8[%dma_wait3A_77] : memref<6416xi32, #tpu.memory_space<vmem>> -> memref<40xi32, #tpu.memory_space<vmem>>
    %dma_wait3A_79 = arith.constant 0 : i32
    %dma_wait3A_80 = arith.constant 0 : i32
    %dma_wait3A_81 = tpu.memref_slice %arg2[%dma_wait3A_79, %dma_wait3A_80] : memref<1000x1024xf32, #tpu.memory_space<hbm>> -> memref<1000x1024xf32, #tpu.memory_space<hbm>>
    tpu.wait_indirect_dma semaphore(%arg15 : memref<!tpu.dma_semaphore, #tpu.memory_space<semaphore_mem>>) src(%dma_wait3A_81 : memref<1000x1024xf32, #tpu.memory_space<hbm>>) dst(%arg11 : memref<40x1024xf32, #tpu.memory_space<vmem>>)
    %mul3A_82 = arith.constant 32 : i32
    %mul3A_83 = arith.muli %add3A, %mul3A_82 : i32
    %add3A_84 = arith.constant 31 : i32
    %add3A_85 = arith.addi %mul3A_83, %add3A_84 : i32
    %dma_start3A_86 = arith.constant 160 : i32
    %dma_start3A_87 = arith.constant 0 : i32
    %dma_start3A_88 = tpu.memref_slice %arg6[%add3A_85, %dma_start3A_86, %dma_start3A_87] : memref<1024x200x1024xf32, #tpu.memory_space<hbm>> -> memref<1x40x1024xf32, #tpu.memory_space<hbm>>
    %dma_start3A_89 = tpu.memref_squeeze %dma_start3A_88 : memref<1x40x1024xf32, #tpu.memory_space<hbm>> -> memref<40x1024xf32, #tpu.memory_space<hbm>>
    %dma_start3A_90 = arith.constant 160 : i32
    %dma_start3A_91 = arith.constant 0 : i32
    %dma_start3A_92 = tpu.memref_slice %arg6[%add3A_85, %dma_start3A_90, %dma_start3A_91] : memref<1024x200x1024xf32, #tpu.memory_space<hbm>> -> memref<1x40x1024xf32, #tpu.memory_space<hbm>>
    %dma_start3A_93 = tpu.memref_squeeze %dma_start3A_92 : memref<1x40x1024xf32, #tpu.memory_space<hbm>> -> memref<40x1024xf32, #tpu.memory_space<hbm>>
    tpu.enqueue_dma source(%arg11 : memref<40x1024xf32, #tpu.memory_space<vmem>>) target(%dma_start3A_93 : memref<40x1024xf32, #tpu.memory_space<hbm>>) target_semaphore(%arg17 : memref<!tpu.dma_semaphore, #tpu.memory_space<semaphore_mem>>)
    %get3A_94 = arith.constant 6360 : index
    %get3A_95 = tpu.vector_load %arg8[%get3A_94] {strides = array<i32>} : memref<6416xi32, #tpu.memory_space<vmem>>, vector<16xi32>,
    %get3A_96 = arith.constant 6360 : index
    %get3A_97 = tpu.vector_load %arg9[%get3A_96] {strides = array<i32>} : memref<6416xi32, #tpu.memory_space<vmem>>, vector<16xi32>,
    %add3A_98 = arith.constant 0 : i32
    %add3A_99 = vector.broadcast %add3A_98 : i32 to vector<16xi32>
    %add3A_100 = arith.addi %iota3A, %add3A_99 : vector<16xi32>
    %gather3A_101 = tpu.vector_load_idx %arg12[%get3A_95] : memref<1000xf32, #tpu.memory_space<vmem>>[vector<16xi32>], vector<16xf32>,
    %gather3A_102 = tpu.vector_load_idx %arg11[%add3A_100, %get3A_97] : memref<40x1024xf32, #tpu.memory_space<vmem>>[vector<16xi32>, vector<16xi32>], vector<16xf32>,
    %sub3A_103 = arith.subf %gather3A_101, %gather3A_102 : vector<16xf32>
    %add3A_104 = arith.addf %scan3A_63, %sub3A_103 : vector<16xf32>
    %get3A_105 = arith.constant 6376 : index
    %get3A_106 = tpu.vector_load %arg8[%get3A_105] {strides = array<i32>} : memref<6416xi32, #tpu.memory_space<vmem>>, vector<16xi32>,
    %get3A_107 = arith.constant 6376 : index
    %get3A_108 = tpu.vector_load %arg9[%get3A_107] {strides = array<i32>} : memref<6416xi32, #tpu.memory_space<vmem>>, vector<16xi32>,
    %add3A_109 = arith.constant 16 : i32
    %add3A_110 = vector.broadcast %add3A_109 : i32 to vector<16xi32>
    %add3A_111 = arith.addi %iota3A, %add3A_110 : vector<16xi32>
    %gather3A_112 = tpu.vector_load_idx %arg12[%get3A_106] : memref<1000xf32, #tpu.memory_space<vmem>>[vector<16xi32>], vector<16xf32>,
    %gather3A_113 = tpu.vector_load_idx %arg11[%add3A_111, %get3A_108] : memref<40x1024xf32, #tpu.memory_space<vmem>>[vector<16xi32>, vector<16xi32>], vector<16xf32>,
    %sub3A_114 = arith.subf %gather3A_112, %gather3A_113 : vector<16xf32>
    %add3A_115 = arith.addf %add3A_104, %sub3A_114 : vector<16xf32>
    %get3A_116 = arith.constant 6392 : index
    %get3A_117 = tpu.vector_load %arg8[%get3A_116] {strides = array<i32>} : memref<6416xi32, #tpu.memory_space<vmem>>, vector<16xi32>,
    %get3A_118 = arith.constant 6392 : index
    %get3A_119 = tpu.vector_load %arg9[%get3A_118] {strides = array<i32>} : memref<6416xi32, #tpu.memory_space<vmem>>, vector<16xi32>,
    %add3A_120 = arith.constant 32 : i32
    %add3A_121 = vector.broadcast %add3A_120 : i32 to vector<16xi32>
    %add3A_122 = arith.addi %iota3A, %add3A_121 : vector<16xi32>
    %gather3A_123 = tpu.vector_load_idx %arg12[%get3A_117] masked %lt3A_2 : memref<1000xf32, #tpu.memory_space<vmem>>[vector<16xi32>], vector<16xf32>, vector<16xi1>
    %gather3A_124 = tpu.vector_load_idx %arg11[%add3A_122, %get3A_119] masked %lt3A_2 : memref<40x1024xf32, #tpu.memory_space<vmem>>[vector<16xi32>, vector<16xi32>], vector<16xf32>, vector<16xi1>
    %sub3A_125 = arith.subf %gather3A_123, %gather3A_124 : vector<16xf32>
    %jit3A_126 = arith.constant 0.000000e+00 : f32
    %broadcast_in_dim3A_127 = vector.broadcast %jit3A_126 : f32 to vector<16xf32>
    %select_n3A_128 = arith.select %lt3A_2, %sub3A_125, %broadcast_in_dim3A_127 : vector<16xi1>, vector<16xf32>
    %add3A_129 = arith.addf %add3A_115, %select_n3A_128 : vector<16xf32>
    %mul3A_130 = arith.constant 32 : i32
    %mul3A_131 = arith.muli %add3A, %mul3A_130 : i32
    %add3A_132 = arith.constant 31 : i32
    %add3A_133 = arith.addi %mul3A_131, %add3A_132 : i32
    %dma_wait3A_134 = arith.constant 160 : i32
    %dma_wait3A_135 = arith.constant 0 : i32
    %dma_wait3A_136 = tpu.memref_slice %arg6[%add3A_133, %dma_wait3A_134, %dma_wait3A_135] : memref<1024x200x1024xf32, #tpu.memory_space<hbm>> -> memref<1x40x1024xf32, #tpu.memory_space<hbm>>
    %dma_wait3A_137 = tpu.memref_squeeze %dma_wait3A_136 : memref<1x40x1024xf32, #tpu.memory_space<hbm>> -> memref<40x1024xf32, #tpu.memory_space<hbm>>
    %dma_wait3A_138 = arith.constant 160 : i32
    %dma_wait3A_139 = arith.constant 0 : i32
    %dma_wait3A_140 = tpu.memref_slice %arg6[%add3A_133, %dma_wait3A_138, %dma_wait3A_139] : memref<1024x200x1024xf32, #tpu.memory_space<hbm>> -> memref<1x40x1024xf32, #tpu.memory_space<hbm>>
    %dma_wait3A_141 = tpu.memref_squeeze %dma_wait3A_140 : memref<1x40x1024xf32, #tpu.memory_space<hbm>> -> memref<40x1024xf32, #tpu.memory_space<hbm>>
    tpu.wait_dma2 semaphore(%arg17 : memref<!tpu.dma_semaphore, #tpu.memory_space<semaphore_mem>>) src(%arg11 : memref<40x1024xf32, #tpu.memory_space<vmem>>) dst(%dma_wait3A_141 : memref<40x1024xf32, #tpu.memory_space<hbm>>)
    %swap3A = arith.constant 0 : index
    %swap3A_142 = tpu.vector_load %arg13[%swap3A] {strides = array<i32>} : memref<16xf32, #tpu.memory_space<vmem>>, vector<16xf32>,
    tpu.vector_store %arg13[%swap3A], %add3A_129 {strides = array<i32>} : memref<16xf32, #tpu.memory_space<vmem>>, vector<16xf32>,
    "tpu.region"() ({
      %run_scoped3A = tpu.sem_alloc : memref<!tpu.dma_semaphore, #tpu.memory_space<semaphore_mem>>
      %dma_start3A_143 = arith.constant 0 : i32
      %dma_start3A_144 = tpu.memref_slice %arg7[%add3A, %dma_start3A_143] : memref<32x16xf32, #tpu.memory_space<hbm>> -> memref<1x16xf32, #tpu.memory_space<hbm>>
      %dma_start3A_145 = tpu.memref_squeeze %dma_start3A_144 : memref<1x16xf32, #tpu.memory_space<hbm>> -> memref<16xf32, #tpu.memory_space<hbm>>
      %dma_start3A_146 = arith.constant 0 : i32
      %dma_start3A_147 = tpu.memref_slice %arg7[%add3A, %dma_start3A_146] : memref<32x16xf32, #tpu.memory_space<hbm>> -> memref<1x16xf32, #tpu.memory_space<hbm>>
      %dma_start3A_148 = tpu.memref_squeeze %dma_start3A_147 : memref<1x16xf32, #tpu.memory_space<hbm>> -> memref<16xf32, #tpu.memory_space<hbm>>
      tpu.enqueue_dma source(%arg13 : memref<16xf32, #tpu.memory_space<vmem>>) target(%dma_start3A_148 : memref<16xf32, #tpu.memory_space<hbm>>) target_semaphore(%run_scoped3A : memref<!tpu.dma_semaphore, #tpu.memory_space<semaphore_mem>>)
      %dma_wait3A_149 = arith.constant 0 : i32
      %dma_wait3A_150 = tpu.memref_slice %arg7[%add3A, %dma_wait3A_149] : memref<32x16xf32, #tpu.memory_space<hbm>> -> memref<1x16xf32, #tpu.memory_space<hbm>>
      %dma_wait3A_151 = tpu.memref_squeeze %dma_wait3A_150 : memref<1x16xf32, #tpu.memory_space<hbm>> -> memref<16xf32, #tpu.memory_space<hbm>>
      %dma_wait3A_152 = arith.constant 0 : i32
      %dma_wait3A_153 = tpu.memref_slice %arg7[%add3A, %dma_wait3A_152] : memref<32x16xf32, #tpu.memory_space<hbm>> -> memref<1x16xf32, #tpu.memory_space<hbm>>
      %dma_wait3A_154 = tpu.memref_squeeze %dma_wait3A_153 : memref<1x16xf32, #tpu.memory_space<hbm>> -> memref<16xf32, #tpu.memory_space<hbm>>
      tpu.wait_dma2 semaphore(%run_scoped3A : memref<!tpu.dma_semaphore, #tpu.memory_space<semaphore_mem>>) src(%arg13 : memref<16xf32, #tpu.memory_space<vmem>>) dst(%dma_wait3A_154 : memref<16xf32, #tpu.memory_space<hbm>>)
      tpu.yield
    }) : () -> ()
    return
  }
}

module attributes {stable_mosaic.version = 14 : i64} {
  func.func @body(%arg0: memref<1000x1000xf32, #tpu.memory_space<vmem>>, %arg1: memref<1000x1xf32, #tpu.memory_space<vmem>>) attributes {dimension_semantics = [], scalar_prefetch = 0 : i64, scratch_operands = 0 : i64, tpu.core_type = #tpu.core_type<tc>} {
    %get3A = arith.constant 0 : index
    %get3A_0 = arith.constant 0 : index
    %get3A_1 = vector.load %arg0[%get3A, %get3A_0] : memref<1000x1000xf32, #tpu.memory_space<vmem>>, vector<1000x1000xf32>
    %reduce_max3A = arith.constant dense<0xFF800000> : vector<1000xf32>
    %reduce_max3A_2 = vector.multi_reduction <maximumf>, %get3A_1, %reduce_max3A [1] : vector<1000x1000xf32> to vector<1000xf32>
    %broadcast_in_dim3A = vector.shape_cast %reduce_max3A_2 : vector<1000xf32> to vector<1000x1xf32>
    %sub3A = vector.broadcast %broadcast_in_dim3A : vector<1000x1xf32> to vector<1000x1000xf32>
    %sub3A_3 = arith.subf %get3A_1, %sub3A : vector<1000x1000xf32>
    %exp3A = math.exp %sub3A_3 : vector<1000x1000xf32>
    %reduce_sum3A = arith.constant dense<0.000000e+00> : vector<1000xf32>
    %reduce_sum3A_4 = vector.multi_reduction <add>, %exp3A, %reduce_sum3A [1] : vector<1000x1000xf32> to vector<1000xf32>
    %broadcast_in_dim3A_5 = vector.shape_cast %reduce_sum3A_4 : vector<1000xf32> to vector<1000x1xf32>
    %log3A = math.log %broadcast_in_dim3A_5 : vector<1000x1xf32>
    %add3A = arith.addf %log3A, %broadcast_in_dim3A : vector<1000x1xf32>
    %swap3A = arith.constant 0 : index
    %swap3A_6 = arith.constant 0 : index
    %swap3A_7 = vector.load %arg1[%swap3A, %swap3A_6] : memref<1000x1xf32, #tpu.memory_space<vmem>>, vector<1000x1xf32>
    tpu.vector_store %arg1[%swap3A, %swap3A_6], %add3A {strides = array<i32>} : memref<1000x1xf32, #tpu.memory_space<vmem>>, vector<1000x1xf32>,
    return
  }
}

</mosaic_0001>

<sc_bundles>
// kernel: kernel.4.cloned.1.call-start
scs
__scs_entry_jumppad:
0x0: {  	(pc) =	sbr.rel $0x88, $3  }
0x1: {  	(tag) =	ssettag $0x0;
	lr =	simm.s32 $0x1  }
0x2: {  	[smem:$0x3F9E] =	sst lr;
	_ =	strace $0xD0000000  }
0x3: {  	_ = 	snop  }
0x4: {  	_ = 	snop  }
0x5: {  	_ = 	snop  }
0x6: {  	_ = 	snop  }
0x7: {  	_ = 	snop  }
__scs_overlays_trampoline_lowered:
0x8: {  	[smem:$0x3FAD] =	sst s0  }
0x9: {  	[smem:$0x3FAE] =	sst s1  }
0xa: {  	[smem:$0x3FAF] =	sst s2  }
0xb: {  	[smem:$0x3FB0] =	sst s3  }
0xc: {  	[smem:$0x3FB1] =	sst s4  }
0xd: {  	[smem:$0x3FB2] =	sst s5  }
0xe: {  	[smem:$0x3FB3] =	sst s6  }
0xf: {  	[smem:$0x3FB4] =	sst s7  }
0x10: {  	[smem:$0x3FB5] =	sst s8  }
0x11: {  	[smem:$0x3FB6] =	sst s9;
	s0 =	simm.s32 @!p0 $0x0  }
0x12: {  	s1 =	sld [smem:$0x3F9C];
	s0 =	simm.s32 @p0 $0x1  }
0x13: {  	[smem:$0x3FB7] =	sst s0;
	s0 =	simm.s32 @!p1 $0x0  }
0x14: {  	s2 =	sld [smem:$0x3F9B];
	s0 =	simm.s32 @p1 $0x1  }
0x15: {  	[smem:$0x3FB8] =	sst s0;
	s0 =	simm.s32 @!p2 $0x0  }
0x16: {  	s3 =	sld [smem:$0x3FDB];
	s0 =	simm.s32 @p2 $0x1  }
0x17: {  	s4 =	simm.s32 $0x1BF5;
	[smem:$0x3FBA] =	sst s0  }
0x18: {  	s0 =	sld [smem:$0x3F9D];
	_ =	swait.ge [sflag:s4], $0x0  }
0x19: {  	s7 =	sld [smem:$0x3F9E]  }
0x1a: {  	s8 =	sadd.s32 $0xFFFFE003, lr  }
0x1b: {  	s9 =	sadd.s32 $0xFFFFFEF7, lr;
	s5 =	simm.s32 $0xFFFFFFFF;
	p2 =	slt.u32 s8, $0xFFFFF086  }
0x1c: {  	p1 =	slt.u32 s9, $0xF7A;
	s5 =	simm.s32 @!p2 $0x0  }
0x1d: {  	s5 =	simm.s32 @p1 $0x1;
	p0 =	seq.s32 s7, s2  }
0x1e: {  	s7 =	smul.u32 @!p0 $0xF7A, s2;
	p2 =	seq.s32 @!p0 s5, $0x0  }
0x1f: {  	s9 =	smul.u32 $0xF7A, s1;
	s8 =	simm.s32 @!p0 $0x1BF5;
	p2 =	por !p2, p0  }
0x20: {  	[sflag:s8] =	ssyncset.s32 @!p0 $0xFFFFF086;
	s6 =	sadd.s32 @!p0 s3, s7;
	s7 =	simm.s32 @!p0 $0x108  }
0x21: {  	s3 =	sadd.s32 s3, s9;
	s6 =	sadd.s32 @!p0 $0x88, s6;
	s7 =	simm.s32 @p2 $0x1082  }
0x22: {  	[simem:s7], [sflag:s8] =	dma.local @!p0 [hbm:s6], $0xF7A  }
0x23: {  	s9 =	sor.u32 $0xD0000000, s2;
	s6 =	simm.s32 $0x108;
	_ =	swait.ge @!p0 [sflag:s8], $0x0  }
0x24: {  	s3 =	sadd.s32 $0x88, s3;
	s6 =	simm.s32 @!p1 $0x1082;
	[sflag:s4] =	ssyncset.s32 $0xFFFFF086  }
0x25: {  	[simem:s6], [sflag:s4] =	dma.local [hbm:s3], $0xF7A  }
0x26: {  	[smem:$0x3F9E] =	sst s1;
	(tag) =	ssettag s2;
	_ =	strace s9  }
0x27: {  	s1 =	sld [smem:$0x3FAE]  }
0x28: {  	s2 =	sld [smem:$0x3FAF]  }
0x29: {  	s4 =	sld [smem:$0x3FB1]  }
0x2a: {  	p0 =	seq.s32 s5, $0x0;
	s5 =	sld [smem:$0x3FB2]  }
0x2b: {  	s6 =	sld [smem:$0x3FB3]  }
0x2c: {  	s7 =	sld [smem:$0x3FB4]  }
0x2d: {  	s3 =	simm.s32 $0x108;
	s8 =	sld [smem:$0x3FB5]  }
0x2e: {  	s3 =	simm.s32 @!p0 $0x1082;
	s9 =	sld [smem:$0x3FB6]  }
0x2f: {  	lr =	sadd.s32 s0, s3;
	s0 =	sld [smem:$0x3FAD]  }
0x30: {  	s3 =	sld [smem:$0x3FB0]  }
0x31: {  	[smem:$0x3FB9] =	sst s10  }
0x32: {  	s10 =	sld [smem:$0x3FB7];
	_ =	sdelay $0x3  }
0x33: {  	p0 =	seq.s32 s10, $0x1;
	s10 =	sld [smem:$0x3FB9];
	_ =	sdelay $0x3  }
0x34: {  	[smem:$0x3FB9] =	sst s10  }
0x35: {  	s10 =	sld [smem:$0x3FB8];
	_ =	sdelay $0x3  }
0x36: {  	p1 =	seq.s32 s10, $0x1;
	s10 =	sld [smem:$0x3FB9];
	_ =	sdelay $0x3  }
0x37: {  	[smem:$0x3FB9] =	sst s10  }
0x38: {  	s10 =	sld [smem:$0x3FBA]  }
0x39: {  	_ = 	snop;
	(pc) =	sbr.ind lr, $3  }
0x3a: {  	_ = 	snop  }
0x3b: {  	_ = 	snop  }
0x3c: {  	p2 =	seq.s32 s10, $0x1;
	s10 =	sld [smem:$0x3FB9]  }
0x3d: {  	_ =	shalt  }
0x3e: {  	_ =	shalt  }
0x3f: {  	_ =	shalt  }
0x40: {  	_ =	shalt  }
0x41: {  	_ =	shalt  }
0x42: {  	_ =	shalt  }
0x43: {  	_ =	shalt  }
0x44: {  	_ =	shalt  }
0x45: {  	_ =	shalt  }
0x46: {  	_ =	shalt  }
0x47: {  	_ =	shalt  }
0x48: {  	_ =	shalt  }
0x49: {  	_ =	shalt  }
0x4a: {  	_ =	shalt  }
0x4b: {  	_ =	shalt  }
0x4c: {  	_ =	shalt  }
0x4d: {  	_ =	shalt  }
0x4e: {  	_ =	shalt  }
0x4f: {  	_ =	shalt  }
0x50: {  	_ =	shalt  }
0x51: {  	_ =	shalt  }
0x52: {  	_ =	shalt  }
0x53: {  	_ =	shalt  }
0x54: {  	_ =	shalt  }
0x55: {  	_ =	shalt  }
0x56: {  	_ =	shalt  }
0x57: {  	_ =	shalt  }
0x58: {  	_ =	shalt  }
0x59: {  	_ =	shalt  }
0x5a: {  	_ =	shalt  }
0x5b: {  	_ =	shalt  }
0x5c: {  	_ =	shalt  }
0x5d: {  	_ =	shalt  }
0x5e: {  	_ =	shalt  }
0x5f: {  	_ =	shalt  }
0x60: {  	_ =	shalt  }
0x61: {  	_ =	shalt  }
0x62: {  	_ =	shalt  }
0x63: {  	_ =	shalt  }
0x64: {  	_ =	shalt  }
0x65: {  	_ =	shalt  }
0x66: {  	_ =	shalt  }
0x67: {  	_ =	shalt  }
0x68: {  	_ =	shalt  }
0x69: {  	_ =	shalt  }
0x6a: {  	_ =	shalt  }
0x6b: {  	_ =	shalt  }
0x6c: {  	_ =	shalt  }
0x6d: {  	_ =	shalt  }
0x6e: {  	_ =	shalt  }
0x6f: {  	_ =	shalt  }
0x70: {  	_ =	shalt  }
0x71: {  	_ =	shalt  }
0x72: {  	_ =	shalt  }
0x73: {  	_ =	shalt  }
0x74: {  	_ =	shalt  }
0x75: {  	_ =	shalt  }
0x76: {  	_ =	shalt  }
0x77: {  	_ =	shalt  }
0x78: {  	_ =	shalt  }
0x79: {  	_ =	shalt  }
0x7a: {  	_ =	shalt  }
0x7b: {  	_ =	shalt  }
0x7c: {  	_ =	shalt  }
0x7d: {  	_ =	shalt  }
0x7e: {  	_ =	shalt  }
0x7f: {  	_ =	shalt  }
0x80: {  	_ =	shalt  }
0x81: {  	_ =	shalt  }
0x82: {  	_ =	shalt  }
0x83: {  	_ =	shalt  }
0x84: {  	_ =	shalt  }
0x85: {  	_ =	shalt  }
0x86: {  	_ =	shalt  }
0x87: {  	_ =	shalt  }
.Lfunc_end0:
.L_simem_size_0:
called_computation.1_lowered:
.L_overlay_start_0:
0x88: {  	s2 =	sld [smem:$0x3FD9]  }
0x89: {  	s3 =	sld [smem:$0x3FFE];
	_ =	sdelay $0x1  }
0x8a: {  	s1 =	srdreg.scid  }
0x8b: {  	s0 =	sand.u32 $0x1, s1  }
0x8c: {  	s14 =	sshll.u32 s0, $0xA;
	s2 =	sadd.s32 s3, s2  }
0x8d: {  	s2 =	sadd.s32 s2, s14  }
0x8e: {  	[smem:$0x3FC5] =	sst s2  }
0x8f: {  	_ = 	snop  }
0x90: {  	s2 =	sld [smem:$0x3FD0];
	_ =	sdelay $0x2  }
0x91: {  	s15 =	simm.s32 $0xA;
	s4 =	simm.s32 $0x10  }
0x92: {  	[smem:s4], [sflag:s15] =	dma.local [hbm:s2], $0x1  }
0x93: {  	_ =	swait.eq [sflag:s15], $0x1  }
0x94: {  	[sflag:s15] =	ssyncset.done $0x0  }
0x95: {  	[sflag:s15] =	ssyncadd.s32 $0xFFFFFFFF  }
0x96: {  	s16 =	sld [smem:$0x10];
	(tm) =	ssettm $0x1  }
0x97: {  	s17 =	sld [smem:$0x3FFB];
	_ =	sdelay $0x3  }
0x98: {  	_ =	strace s17  }
0x99: {  	s3 =	sld [smem:$0x3FFC];
	_ =	sdelay $0x3  }
0x9a: {  	_ =	strace s3  }
0x9b: {  	s3 =	sld [smem:$0x3FFD];
	_ =	sdelay $0x3  }
0x9c: {  	_ =	strace s3  }
0x9d: {  	_ =	strace $0x8FFFFFFF  }
0x9e: {  	s18 =	sld [smem:$0x3FDB];
	_ =	sdelay $0x1  }
0x9f: {  	s19 =	simm.s32 $_scs_section_size  }
0xa0: {  	s5 =	simm.s32 $_size__tile_overlayer_lowered;
	s6 =	simm.s32 $_tile_overlayer_lowered  }
0xa1: {  	s22 =	simm.s32 $0x1BFF;
	s21 =	sshll.u32 s6, $0x1;
	s3 =	sadd.s32 s19, s18  }
0xa2: {  	s7 =	simm.s32 $0x0;
	s20 =	sshll.u32 s5, $0x1;
	s5 =	sadd.s32 s21, s3  }
0xa3: {  	[timem:s7], [sflag:s22] =	dma.local [hbm:s5], s20  }
0xa4: {  	_ =	swait.ge [sflag:s22], s20  }
0xa5: {  	s4 =	ssub.s32 $0x0, s20;
	[sflag:s22] =	ssyncset.done $0x0  }
0xa6: {  	[sflag:s22] =	ssyncadd.s32 s4;
	_ =	sdelay $0x1  }
0xa7: {  	s23 =	simm.s32 $0x1B8B  }
0xa8: {  	_ =	swait.ge [sflag:s23], $0x1  }
0xa9: {  	[sflag:s23] =	ssyncset.done $0x0  }
0xaa: {  	s25 =	simm.s32 $0x1B8E;
	s24 =	sld [smem:$0x3FFE];
	[sflag:s23] =	ssyncadd.s32 $0xFFFFFFFF  }
0xab: {  	s26 =	simm.s32 $execute0_lowered;
	[smem:$0x3FD2] =	sst s25  }
0xac: {  	s5 =	sshll.u32 s26, $0x1;
	_ =	strace $0x80000046;
	[dreg:$0x1] =	wrdreg $0xFFFFFFFF  }
0xad: {  	s28 =	simm.s32 $_size_execute0_lowered;
	s3 =	sadd.s32 s3, s5;
	[dreg:$0x0] =	wrdreg $0x0  }
0xae: {  	s5 =	sshll.u32 s28, $0x1;
	[dreg:$0x2] =	wrdreg s3  }
0xaf: {  	[dreg:$0x3] =	wrdreg s5  }
0xb0: {  	[dreg:$0x4] =	wrdreg $0xC0  }
0xb1: {  	_ =	task [dreg:s7], $0x5FFFF  }
0xb2: {  	[dreg:$0x1] =	wrdreg $0xFFFFFFFF  }
0xb3: {  	[dreg:$0x0] =	wrdreg $0x60  }
0xb4: {  	[dreg:$0x2] =	wrdreg s16  }
0xb5: {  	[dreg:$0x3] =	wrdreg s24  }
0xb6: {  	[dreg:$0x4] =	wrdreg $0x9  }
0xb7: {  	_ =	task.clear_ibuf [dreg:s7], $0x5FFFF;
	_ =	strace $0x90000046  }
0xb8: {  	s29 =	simm.s32 $0x9;
	_ =	strace $0x80000048  }
0xb9: {  	_ =	swait.ge [sflag:s29], $0x1  }
0xba: {  	[sflag:s29] =	ssyncadd.s32 $0xFFFFFFFF  }
0xbb: {  	_ =	strace $0x90000048  }
0xbc: {  	_ =	sfence  }
0xbd: {  	s30 =	sld [smem:$0x0];
	_ =	sdelay $0x2  }
0xbe: {  	s31 =	sshll.u32 s1, $0xD;
	s1 =	sshrl.u32 s1, $0x2  }
0xbf: {  	s3 =	sand.u32 $0x4000, s31;
	s1 =	sadd.s32 s1, s30  }
0xc0: {  	s0 =	sor.u32 s3, s0;
	s1 =	sshll.u32 s1, $0x11  }
0xc1: {  	s0 =	sor.u32 s1, s0  }
0xc2: {  	s0 =	sadd.s32 $0x8F2B, s0  }
0xc3: {  	[sflag:s0] =	ssyncadd.remote.s32 $0x1  }
0xc4: {  	_ =	sfence.sel $0xFFFF  }
0xc5: {  	[dreg:$0x0] =	wrdreg $0xFFFFFFFF;
	(pc) =	sbr.abs _section_cstart, $3  }
0xc6: {  	[dreg:$0x1] =	wrdreg $0xFFFFFFFF  }
0xc7: {  	_ =	task.clear_ibuf [dreg:s7], $0x2FFFF;
	_ =	strace $0x9FFFFFFF  }
0xc8: {  	(tm) =	ssettm $0x7FFFFFFF  }
0xc9: {  	_ =	shalt  }
tec
execute0_lowered:
.L_overlay_start_1:
0x0: {  	(tag) =	ssettag $0x1  }
0x1: {  	s1 =	srdreg.scid  }
0x2: {  	s0 =	stileid.u32;
	s2 =	rddreg [dreg:$0x0]  }
0x3: {  	s6 =	rddreg [dreg:$0x1];
	s13 =	simm.s32 $0x17220;
	s14 =	simm.s32 $0x5  }
0x4: {  	s15 =	simm.s32 $0x1910;
	s16 =	simm.s32 $0x28;
	s17 =	simm.s32 $0x3220  }
0x5: {  	s18 =	simm.s32 $0xD220;
	s19 =	simm.s32 $0x1;
	s20 =	simm.s32 $0x3  }
0x6: {  	s21 =	simm.s32 $0x2;
	s22 =	simm.s32 $0x4;
	s23 =	simm.s32 $0x17608  }
0x7: {  	s24 =	simm.s32 $0x0;
	s1 =	sand.u32 $0x1, s1;
	s3 =	sshll.u32 s0, $0x1  }
0x8: {  	s5 =	sadd.s32 $0xD400, s6;
	s8 =	sor.u32 s1, s3;
	s3 =	simm.s32 $0x0  }
0x9: {  	s1 =	ssub.s32 $0x2, s1;
	s4 =	smul.u32 $0x320, s8;
	[smem:$0x7FF] =	sst s3  }
0xa: {  	s9 =	sshll.u32 s8, $0x1;
	s10 =	sshrl.u32 s1, $0x1;
	s11 =	smul.u32 $0x640000, s8  }
0xb: {  	s30 =	smul.u32 $0xC8000, s8;
	s8 =	sshll.u32 s8, $0x5;
	_ =	strace $0x80000047  }
0xc: {  	v0 =	vlaneseq.u32;
	s12 =	sadd.s32 s9, s6;
	s1 =	ssub.s32 s1, s10;
	s7 =	sadd.s32 s4, s6  }
0xd: {  	v0 =	vmul.u32 $0x400, v0;
	s4 =	sadd.s32 $0xD200, s6;
	s31 =	sshrl.u32 s11, $0x3;
	s9 =	sadd.s32 s5, s30  }
0xe: {  	s11 =	sadd.s32 $0x190D400, s12;
	s12 =	smax.u32 s1, $0x1;
	s10 =	sadd.s32 s5, s31  }
0xf: {  	vm0 =	vmmov $0xff;
	v1 =	vor.u32 $0x4000, v0;
	v2 =	vor.u32 $0x8000, v0;
	s6 =	sadd.s32 $0xA00, s7;
	s7 =	sadd.s32 $0x6E00, s7;
	s10 =	sadd.s32 $0xC6C00, s10  }
.LBB2_1:
0x10: {  	[tilespmem:s13], [sflag:$0x5] =	stream.linear.gather [hbm4b:s4+s3], $0x3E8, $0x38;
	[tilespmem:$0x17618] =	vst v63  }
0x11: {  	_ =	swait.ge [sflag:s14], $0x3E8  }
0x12: {  	[sflag:s14] =	ssyncset.done $0x0  }
0x13: {  	[sflag:s14] =	ssyncadd.s32 $0xFFFFFC18  }
0x14: {  	[tilespmem:s3], [sflag:$0x5] =	stream.linear.gather [hbm4b:s6+s3], $0x1900, $0x38;
	[tilespmem:$0x17618] =	vst v63  }
0x15: {  	_ =	swait.ge [sflag:s14], $0x1900  }
0x16: {  	[sflag:s14] =	ssyncset.done $0x0  }
0x17: {  	[sflag:s14] =	ssyncadd.s32 $0xFFFFE700  }
0x18: {  	[tilespmem:s15], [sflag:$0x5] =	stream.linear.gather [hbm4b:s7+s3], $0x1900, $0x38;
	[tilespmem:$0x17618] =	vst v63  }
0x19: {  	_ =	swait.ge [sflag:s14], $0x1900  }
0x1a: {  	[sflag:s14] =	ssyncset.done $0x0  }
0x1b: {  	[sflag:s14] =	ssyncadd.s32 $0xFFFFE700  }
0x1c: {  	[tilespmem:s17], [sflag:$0x1] =	stream.indirect.gather [hbm4b:s2+s16], $0x400, s3, s16, $0xb8;
	[tilespmem:$0x17618] =	vst v63  }
0x1d: {  	_ = 	snop  }
0x1e: {  	[tilespmem:s18], [sflag:$0x2] =	stream.indirect.gather [hbm4b:s2+s16], $0x400, s16, s16, $0xb8;
	[tilespmem:$0x17618] =	vst v63  }
0x1f: {  	_ =	swait.ge [sflag:s19], $0xA000  }
0x20: {  	[sflag:s19] =	ssyncset.done $0x0  }
0x21: {  	[sflag:s19] =	ssyncadd.s32 $0xFFFF6000  }
0x22: {  	[hbm4b:s9+s3] =	stream.linear.scatter [tilespmem:s17], [sflag:$0x3], $0xA000, $0x38;
	[tilespmem:$0x17618] =	vst v63  }
0x23: {  	v3 =	vld [tilespmem:$0x1910]  }
0x24: {  	v4 =	vld [tilespmem:$0x0]  }
0x25: {  	v5 =	vld [tilespmem:$0x1920]  }
0x26: {  	v6 =	vld [tilespmem:$0x10]  }
0x27: {  	v8 =	vld [tilespmem:$0x20]  }
0x28: {  	v7 =	vld [tilespmem:$0x1930];
	_ =	sdelay $0x2  }
0x29: {  	s1 =	simm.s32 $0x1;
	v3 =	vadd.s32 v0, v3  }
0x2a: {  	s1 =	smul.u32 $0xCD, s1;
	v5 =	vadd.s32 v1, v5  }
0x2b: {  	v7 =	vadd.s32 v2, v7;
	v4 =	vld.idx.msk [tilespmem:v4+s13+$0x0], $0xffff  }
0x2c: {  	s1 =	sshrl.u32 s1, $0xA;
	v6 =	vld.idx.msk [tilespmem:v6+s13+$0x0], $0xffff  }
0x2d: {  	s1 =	sand.u32 $0x3F, s1;
	v8 =	vld.idx.msk [tilespmem:v8+s13+$0x0], $0xff  }
0x2e: {  	s25 =	smul.u32 $0x5, s1;
	v3 =	vld.idx.msk [tilespmem:v3+s17+$0x0], $0xffff  }
0x2f: {  	v5 =	vld.idx.msk [tilespmem:v5+s17+$0x0], $0xffff  }
0x30: {  	s1 =	sadd.s32 s1, s8;
	s25 =	ssub.s32 $0x1, s25;
	v7 =	vld.idx.msk [tilespmem:v7+s17+$0x0], $0xff;
	_ =	swait.ge [sflag:s20], $0xA000  }
0x31: {  	s1 =	smul.u32 $0x32000, s1;
	s25 =	sand.u32 $0xFF, s25;
	[sflag:s20] =	ssyncset.done $0x0  }
0x32: {  	s26 =	simm.s32 $0x50;
	s25 =	smul.u32 $0xA000, s25;
	[sflag:s20] =	ssyncadd.s32 $0xFFFF6000  }
0x33: {  	[tilespmem:s17], [sflag:$0x1] =	stream.indirect.gather [hbm4b:s2+s16], $0x400, s26, s16, $0xb8;
	[tilespmem:$0x17618] =	vst v63  }
0x34: {  	s1 =	sadd.s32 s25, s1;
	_ =	swait.ge [sflag:s21], $0xA000  }
0x35: {  	s1 =	sshrl.u32 s1, $0x3;
	[sflag:s21] =	ssyncset.done $0x0  }
0x36: {  	s25 =	simm.s32 $0x0;
	s1 =	sadd.s32 s5, s1;
	[sflag:s21] =	ssyncadd.s32 $0xFFFF6000  }
0x37: {  	[hbm4b:s1+s3] =	stream.linear.scatter [tilespmem:s18], [sflag:$0x4], $0xA000, $0x38;
	[tilespmem:$0x17618] =	vst v63  }
0x38: {  	v9 =	vld [tilespmem:s25+$0x1958]  }
0x39: {  	v10 =	vld [tilespmem:s25+$0x1938]  }
0x3a: {  	v11 =	vld [tilespmem:s25+$0x38]  }
0x3b: {  	v14 =	vld [tilespmem:s25+$0x28];
	_ =	sdelay $0x1  }
0x3c: {  	v12 =	vld [tilespmem:s25+$0x1948]  }
0x3d: {  	v13 =	vld [tilespmem:s25+$0x48]  }
0x3e: {  	v9 =	vadd.s32 v2, v9  }
0x3f: {  	v10 =	vadd.s32 v0, v10  }
0x40: {  	s28 =	sand.u32 $0xFF, s21  }
0x41: {  	s1 =	smul.u32 $0xCD, s28;
	v12 =	vadd.s32 v1, v12;
	v11 =	vld.idx.msk [tilespmem:v11+s13+$0x0], $0xffff  }
0x42: {  	v60 =	vld.idx.msk [tilespmem:v14+s13+$0x0], $0xffff  }
0x43: {  	s1 =	sshrl.u32 s1, $0xA;
	v15 =	vld.idx.msk [tilespmem:v9+s18+$0x0], $0xff  }
0x44: {  	s0 =	smul.u32 $0x5, s1;
	v9 =	vld.idx.msk [tilespmem:v10+s18+$0x0], $0xffff  }
0x45: {  	v10 =	vld.idx.msk [tilespmem:v13+s13+$0x0], $0xff  }
0x46: {  	s1 =	sadd.s32 s1, s8;
	s26 =	ssub.s32 $0x2, s0;
	v12 =	vld.idx.msk [tilespmem:v12+s18+$0x0], $0xffff;
	_ =	swait.ge [sflag:s22], $0xA000  }
0x47: {  	s1 =	smul.u32 $0x32000, s1;
	s26 =	sand.u32 $0xFF, s26;
	[sflag:s22] =	ssyncset.done $0x0  }
0x48: {  	s28 =	simm.s32 $0x78;
	s26 =	smul.u32 $0xA000, s26;
	[sflag:s22] =	ssyncadd.s32 $0xFFFF6000  }
0x49: {  	[tilespmem:s18], [sflag:$0x2] =	stream.indirect.gather [hbm4b:s2+s16], $0x400, s28, s16, $0xb8;
	[tilespmem:$0x17618] =	vst v63  }
0x4a: {  	s1 =	sadd.s32 s26, s1;
	_ =	swait.ge [sflag:s19], $0xA000  }
0x4b: {  	s1 =	sshrl.u32 s1, $0x3;
	[sflag:s19] =	ssyncset.done $0x0  }
0x4c: {  	s1 =	sadd.s32 s5, s1;
	[sflag:s19] =	ssyncadd.s32 $0xFFFF6000  }
0x4d: {  	[hbm4b:s1+s3] =	stream.linear.scatter [tilespmem:s17], [sflag:$0x3], $0xA000, $0x38;
	[tilespmem:$0x17618] =	vst v63  }
0x4e: {  	v16 =	vld [tilespmem:s25+$0x1970]  }
0x4f: {  	v61 =	vld [tilespmem:s25+$0x50]  }
0x50: {  	v17 =	vld [tilespmem:s25+$0x1960]  }
0x51: {  	v62 =	vld [tilespmem:s25+$0x60]  }
0x52: {  	v3 =	vsub.f32 v4, v3;
	v18 =	vld [tilespmem:s25+$0x1980]  }
0x53: {  	v19 =	vld [tilespmem:s25+$0x70];
	v4 =	vadd.s32 v1, v16  }
0x54: {  	v5 =	vsub.f32 v6, v5;
	v3 =	vadd.f32 $0.0e+00, v3  }
0x55: {  	v6 =	vsub.f32 v8, v7;
	s28 =	simm.s32 $0x3;
	v17 =	vadd.s32 v0, v17  }
0x56: {  	v7 =	vadd.f32 v5, v3;
	s1 =	smul.u32 $0xCD, s28  }
0x57: {  	v6 =	vnsel vm0, $0x0, v6;
	v8 =	vadd.s32 v2, v18;
	v5 =	vld.idx.msk [tilespmem:v61+s13+$0x0], $0xffff  }
0x58: {  	s1 =	sshrl.u32 s1, $0xA;
	v3 =	vld.idx.msk [tilespmem:v4+s17+$0x0], $0xffff;
	v4 =	vadd.f32 v6, v7;
	v6 =	vsub.f32 v60, v9  }
0x59: {  	v63 =	vsub.f32 v10, v15;
	s1 =	sand.u32 $0x3F, s1;
	v10 =	vld.idx.msk [tilespmem:v62+s13+$0x0], $0xffff  }
0x5a: {  	s30 =	simm.s32 $0x280;
	v11 =	vsub.f32 v11, v12;
	s0 =	smul.u32 $0x5, s1;
	v9 =	vld.idx.msk [tilespmem:v17+s17+$0x0], $0xffff;
	v4 =	vadd.f32 v6, v4  }
0x5b: {  	s31 =	simm.s32 $0xA0;
	s26 =	simm.s32 $0x4;
	s25 =	simm.s32 $0x50;
	v7 =	vld.idx.msk [tilespmem:v19+s13+$0x0], $0xff  }
0x5c: {  	s29 =	sadd.s32 s1, s8;
	s1 =	ssub.s32 $0x3, s0;
	v8 =	vld.idx.msk [tilespmem:v8+s17+$0x0], $0xff;
	_ =	swait.ge [sflag:s20], $0xA000;
	v6 =	vadd.f32 v11, v4;
	v4 =	vnsel vm0, $0x0, v63  }
.LBB2_2:
0x5d: {  	[sflag:s20] =	ssyncset.done $0x0  }
0x5e: {  	s0 =	smul.u32 $0x32000, s29;
	s1 =	sand.u32 $0xFF, s1;
	s28 =	smov.u32 s30  }
0x5f: {  	s29 =	sshra.s32 s30, $0x2;
	v4 =	vadd.f32 v4, v6;
	v5 =	vsub.f32 v5, v9;
	[sflag:s20] =	ssyncadd.s32 $0xFFFF6000;
	s1 =	smul.u32 $0xA000, s1  }
0x60: {  	[tilespmem:s17], [sflag:$0x1] =	stream.indirect.gather [hbm4b:s2+s16], $0x400, s31, s16, $0xb8;
	[tilespmem:$0x17618] =	vst v63  }
0x61: {  	s28 =	sadd.s32 $0x140, s30;
	v4 =	vadd.f32 v5, v4;
	_ =	swait.ge [sflag:s21], $0xA000;
	s0 =	sadd.s32 s1, s0  }
0x62: {  	p0 =	sne.s32 s30, $0x6180;
	v5 =	vsub.f32 v7, v8;
	v3 =	vsub.f32 v10, v3;
	[sflag:s21] =	ssyncset.done $0x0;
	s0 =	sshrl.u32 s0, $0x3  }
0x63: {  	[sflag:s21] =	ssyncadd.s32 $0xFFFF6000;
	s0 =	sadd.s32 s5, s0  }
0x64: {  	v3 =	vadd.f32 v3, v4;
	v4 =	vnsel vm0, $0x0, v5;
	[hbm4b:s0+s3] =	stream.linear.scatter [tilespmem:s18], [sflag:$0x4], $0xA000, $0x38;
	[tilespmem:$0x17618] =	vst v63  }
0x65: {  	v5 =	vld [tilespmem:s25+$0x1958]  }
0x66: {  	v3 =	vadd.f32 v4, v3;
	v6 =	vld [tilespmem:s25+$0x1938]  }
0x67: {  	v4 =	vld [tilespmem:s25+$0x1948]  }
0x68: {  	v7 =	vld [tilespmem:s25+$0x38]  }
0x69: {  	v8 =	vld [tilespmem:s25+$0x28]  }
0x6a: {  	v9 =	vld [tilespmem:s25+$0x48];
	v5 =	vadd.s32 v2, v5  }
0x6b: {  	v6 =	vadd.s32 v0, v6  }
0x6c: {  	v4 =	vadd.s32 v1, v4;
	_ =	sdelay $0x2  }
0x6d: {  	s0 =	sand.u32 $0xFF, s26;
	v5 =	vld.idx.msk [tilespmem:v5+s18+$0x0], $0xff  }
0x6e: {  	s0 =	smul.u32 $0xCD, s0;
	v7 =	vld.idx.msk [tilespmem:v7+s13+$0x0], $0xffff  }
0x6f: {  	v6 =	vld.idx.msk [tilespmem:v6+s18+$0x0], $0xffff  }
0x70: {  	s0 =	sshrl.u32 s0, $0xA;
	v9 =	vld.idx.msk [tilespmem:v9+s13+$0x0], $0xff  }
0x71: {  	s1 =	sadd.s32 s0, s8;
	s0 =	smul.u32 $0x5, s0;
	v8 =	vld.idx.msk [tilespmem:v8+s13+$0x0], $0xffff  }
0x72: {  	v4 =	vld.idx.msk [tilespmem:v4+s18+$0x0], $0xffff  }
0x73: {  	s0 =	ssub.s32 s26, s0;
	_ =	swait.ge [sflag:s22], $0xA000  }
0x74: {  	s1 =	smul.u32 $0x32000, s1;
	s0 =	sand.u32 $0xFF, s0;
	[sflag:s22] =	ssyncset.done $0x0  }
0x75: {  	s30 =	sadd.s32 $0x78, s25;
	s0 =	smul.u32 $0xA000, s0;
	[sflag:s22] =	ssyncadd.s32 $0xFFFF6000  }
0x76: {  	v5 =	vsub.f32 v9, v5;
	[tilespmem:s18], [sflag:$0x2] =	stream.indirect.gather [hbm4b:s2+s16], $0x400, s30, s16, $0xb8;
	[tilespmem:$0x17618] =	vst v63  }
0x77: {  	s0 =	sadd.s32 s0, s1;
	v6 =	vsub.f32 v8, v6;
	_ =	swait.ge [sflag:s19], $0xA000  }
0x78: {  	s0 =	sshrl.u32 s0, $0x3;
	v7 =	vsub.f32 v7, v4;
	v4 =	vnsel vm0, $0x0, v5;
	[sflag:s19] =	ssyncset.done $0x0  }
0x79: {  	s0 =	sadd.s32 s5, s0;
	v3 =	vadd.f32 v6, v3;
	[sflag:s19] =	ssyncadd.s32 $0xFFFF6000  }
0x7a: {  	[hbm4b:s0+s3] =	stream.linear.scatter [tilespmem:s17], [sflag:$0x3], $0xA000, $0x38;
	[tilespmem:$0x17618] =	vst v63  }
0x7b: {  	v6 =	vadd.f32 v7, v3;
	v3 =	vld [tilespmem:s25+$0x50]  }
0x7c: {  	v5 =	vld [tilespmem:s25+$0x1970]  }
0x7d: {  	v7 =	vld [tilespmem:s25+$0x1960]  }
0x7e: {  	v8 =	vld [tilespmem:s25+$0x1980]  }
0x7f: {  	v10 =	vld [tilespmem:s25+$0x70]  }
0x80: {  	v11 =	vld [tilespmem:s25+$0x60];
	s25 =	smov.u32 s29  }
0x81: {  	v9 =	vadd.s32 v1, v5  }
0x82: {  	v7 =	vadd.s32 v0, v7  }
0x83: {  	s26 =	sadd.s32 $0x2, s26;
	v5 =	vld.idx.msk [tilespmem:v3+s13+$0x0], $0xffff;
	v8 =	vadd.s32 v2, v8  }
0x84: {  	s0 =	sadd.s32 $0xFFFFFFFF, s26  }
0x85: {  	s1 =	smul.u32 $0xCD, s0  }
0x86: {  	v3 =	vld.idx.msk [tilespmem:v9+s17+$0x0], $0xffff  }
.Ltmp0:
0x87: {  	s1 =	sshrl.u32 s1, $0xA;
	v9 =	vld.idx.msk [tilespmem:v7+s17+$0x0], $0xffff;
	(pc) =	sbr.rel @p0 .LBB2_2-.Ltmp0, $4  }
0x88: {  	s1 =	sand.u32 $0x3F, s1;
	v7 =	vld.idx.msk [tilespmem:v10+s13+$0x0], $0xff  }
0x89: {  	s29 =	sadd.s32 s1, s8;
	s1 =	smul.u32 $0x5, s1;
	v8 =	vld.idx.msk [tilespmem:v8+s17+$0x0], $0xff  }
0x8a: {  	s30 =	smov.u32 s28;
	v10 =	vld.idx.msk [tilespmem:v11+s13+$0x0], $0xffff  }
0x8b: {  	s31 =	sadd.s32 $0x50, s25;
	s1 =	ssub.s32 s0, s1;
	_ =	swait.ge [sflag:s20], $0xA000  }
0x8c: {  	[sflag:s20] =	ssyncset.done $0x0;
	s0 =	smul.u32 $0x32000, s29;
	s1 =	sand.u32 $0xFF, s1  }
0x8d: {  	[sflag:s20] =	ssyncadd.s32 $0xFFFF6000;
	s1 =	smul.u32 $0xA000, s1  }
0x8e: {  	[tilespmem:s17], [sflag:$0x1] =	stream.indirect.gather [hbm4b:s2+s16], $0x400, s31, s16, $0xb8;
	[tilespmem:$0x17618] =	vst v63  }
0x8f: {  	_ =	swait.ge [sflag:s21], $0xA000;
	s0 =	sadd.s32 s1, s0  }
0x90: {  	[sflag:s21] =	ssyncset.done $0x0;
	s0 =	sshrl.u32 s0, $0x3  }
0x91: {  	[sflag:s21] =	ssyncadd.s32 $0xFFFF6000;
	s0 =	sadd.s32 s5, s0  }
0x92: {  	[hbm4b:s0+s3] =	stream.linear.scatter [tilespmem:s18], [sflag:$0x4], $0xA000, $0x38;
	[tilespmem:$0x17618] =	vst v63  }
0x93: {  	v11 =	vld [tilespmem:s25+$0x1958]  }
0x94: {  	v12 =	vld [tilespmem:s25+$0x1938]  }
0x95: {  	v13 =	vld [tilespmem:s25+$0x38]  }
0x96: {  	v15 =	vld [tilespmem:s25+$0x48]  }
0x97: {  	v16 =	vld [tilespmem:s25+$0x28]  }
0x98: {  	v14 =	vld [tilespmem:s25+$0x1948];
	_ =	sdelay $0x2  }
0x99: {  	v11 =	vadd.s32 v2, v11  }
0x9a: {  	s29 =	sand.u32 $0xFF, s26;
	v12 =	vadd.s32 v0, v12  }
0x9b: {  	s0 =	smul.u32 $0xCD, s29;
	v14 =	vadd.s32 v1, v14;
	v13 =	vld.idx.msk [tilespmem:v13+s13+$0x0], $0xffff  }
0x9c: {  	v15 =	vld.idx.msk [tilespmem:v15+s13+$0x0], $0xff  }
0x9d: {  	s0 =	sshrl.u32 s0, $0xA;
	v16 =	vld.idx.msk [tilespmem:v16+s13+$0x0], $0xffff  }
0x9e: {  	s30 =	smul.u32 $0x5, s0;
	v11 =	vld.idx.msk [tilespmem:v11+s18+$0x0], $0xff  }
0x9f: {  	v12 =	vld.idx.msk [tilespmem:v12+s18+$0x0], $0xffff  }
0xa0: {  	s0 =	sadd.s32 s0, s8;
	s1 =	ssub.s32 s26, s30;
	v14 =	vld.idx.msk [tilespmem:v14+s18+$0x0], $0xffff;
	_ =	swait.ge [sflag:s22], $0xA000  }
0xa1: {  	s0 =	smul.u32 $0x32000, s0;
	s1 =	sand.u32 $0xFF, s1;
	[sflag:s22] =	ssyncset.done $0x0  }
0xa2: {  	s31 =	sadd.s32 $0x78, s25;
	s1 =	smul.u32 $0xA000, s1;
	[sflag:s22] =	ssyncadd.s32 $0xFFFF6000  }
0xa3: {  	[tilespmem:s18], [sflag:$0x2] =	stream.indirect.gather [hbm4b:s2+s16], $0x400, s31, s16, $0xb8;
	[tilespmem:$0x17618] =	vst v63  }
0xa4: {  	s0 =	sadd.s32 s1, s0;
	_ =	swait.ge [sflag:s19], $0xA000  }
0xa5: {  	s0 =	sshrl.u32 s0, $0x3;
	[sflag:s19] =	ssyncset.done $0x0  }
0xa6: {  	s0 =	sadd.s32 s5, s0;
	[sflag:s19] =	ssyncadd.s32 $0xFFFF6000  }
0xa7: {  	[hbm4b:s0+s3] =	stream.linear.scatter [tilespmem:s17], [sflag:$0x3], $0xA000, $0x38;
	[tilespmem:$0x17618] =	vst v63  }
0xa8: {  	v17 =	vld [tilespmem:s25+$0x50]  }
0xa9: {  	v18 =	vld [tilespmem:s25+$0x1970]  }
0xaa: {  	v19 =	vld [tilespmem:s25+$0x1960]  }
0xab: {  	v21 =	vld [tilespmem:s25+$0x70]  }
0xac: {  	v22 =	vld [tilespmem:s25+$0x60]  }
0xad: {  	v20 =	vld [tilespmem:s25+$0x1980];
	_ =	sdelay $0x2  }
0xae: {  	v18 =	vadd.s32 v1, v18  }
0xaf: {  	v19 =	vadd.s32 v0, v19  }
0xb0: {  	v20 =	vadd.s32 v2, v20;
	v17 =	vld.idx.msk [tilespmem:v17+s13+$0x0], $0xffff  }
0xb1: {  	v21 =	vld.idx.msk [tilespmem:v21+s13+$0x0], $0xff  }
0xb2: {  	v22 =	vld.idx.msk [tilespmem:v22+s13+$0x0], $0xffff  }
0xb3: {  	v18 =	vld.idx.msk [tilespmem:v18+s17+$0x0], $0xffff  }
0xb4: {  	v19 =	vld.idx.msk [tilespmem:v19+s17+$0x0], $0xffff  }
0xb5: {  	v20 =	vld.idx.msk [tilespmem:v20+s17+$0x0], $0xff;
	_ =	swait.ge [sflag:s20], $0xA000  }
0xb6: {  	[sflag:s20] =	ssyncset.done $0x0  }
0xb7: {  	[sflag:s20] =	ssyncadd.s32 $0xFFFF6000  }
0xb8: {  	_ =	swait.ge [sflag:s21], $0xA000  }
0xb9: {  	[sflag:s21] =	ssyncset.done $0x0  }
0xba: {  	[sflag:s21] =	ssyncadd.s32 $0xFFFF6000  }
0xbb: {  	v4 =	vadd.f32 v4, v6;
	v5 =	vsub.f32 v5, v9;
	[hbm4b:s10+s3] =	stream.linear.scatter [tilespmem:s18], [sflag:$0x4], $0xA000, $0x38;
	[tilespmem:$0x17618] =	vst v63  }
0xbc: {  	v47 =	vld [tilespmem:$0x31E8]  }
0xbd: {  	v4 =	vadd.f32 v5, v4;
	v3 =	vsub.f32 v10, v3;
	v49 =	vld [tilespmem:$0x18D8]  }
0xbe: {  	v48 =	vsub.f32 v7, v8;
	v50 =	vld [tilespmem:$0x31F8]  }
0xbf: {  	v3 =	vadd.f32 v3, v4;
	v51 =	vld [tilespmem:$0x18E8]  }
0xc0: {  	v6 =	vnsel vm0, $0x0, v48;
	v53 =	vld [tilespmem:$0x3208]  }
0xc1: {  	v3 =	vadd.f32 v6, v3;
	v52 =	vsub.f32 v16, v12;
	v54 =	vld [tilespmem:$0x18F8];
	_ =	sdelay $0x1  }
0xc2: {  	v55 =	vsub.f32 v13, v14;
	v3 =	vadd.f32 v52, v3;
	v5 =	vadd.s32 v0, v47  }
0xc3: {  	v56 =	vsub.f32 v15, v11  }
0xc4: {  	v3 =	vadd.f32 v55, v3;
	v4 =	vadd.s32 v1, v50  }
0xc5: {  	v6 =	vnsel vm0, $0x0, v56;
	v9 =	vadd.s32 v2, v53;
	v7 =	vld.idx.msk [tilespmem:v49+s13+$0x0], $0xffff  }
0xc6: {  	v3 =	vadd.f32 v6, v3;
	v57 =	vsub.f32 v17, v19;
	v8 =	vld.idx.msk [tilespmem:v51+s13+$0x0], $0xffff  }
0xc7: {  	v5 =	vld.idx.msk [tilespmem:v5+s18+$0x0], $0xffff  }
0xc8: {  	v58 =	vsub.f32 v22, v18;
	v3 =	vadd.f32 v57, v3;
	v10 =	vld.idx.msk [tilespmem:v54+s13+$0x0], $0xff  }
0xc9: {  	v59 =	vsub.f32 v21, v20;
	v4 =	vld.idx.msk [tilespmem:v4+s18+$0x0], $0xffff  }
0xca: {  	v3 =	vadd.f32 v58, v3;
	v60 =	vld.idx.msk [tilespmem:v9+s18+$0x0], $0xff  }
0xcb: {  	v61 =	vnsel vm0, $0x0, v59  }
0xcc: {  	v3 =	vadd.f32 v61, v3;
	v5 =	vsub.f32 v7, v5;
	_ =	sdelay $0x1  }
0xcd: {  	v4 =	vsub.f32 v8, v4;
	v3 =	vadd.f32 v5, v3  }
0xce: {  	v62 =	vsub.f32 v10, v60  }
0xcf: {  	v3 =	vadd.f32 v4, v3  }
0xd0: {  	_ =	swait.ge [sflag:s22], $0xA000;
	v63 =	vnsel vm0, $0x0, v62  }
0xd1: {  	s24 =	sadd.s32 $0x1, s24;
	[sflag:s22] =	ssyncset.done $0x0;
	v3 =	vadd.f32 v63, v3  }
0xd2: {  	p0 =	sne.s32 s24, s12;
	[sflag:s22] =	ssyncadd.s32 $0xFFFF6000  }
.Ltmp1:
0xd3: {  	[tilespmem:$0x17608] =	vst v3;
	(pc) =	sbr.rel @p0 .LBB2_1-.Ltmp1, $4  }
0xd4: {  	[hbm4b:s11+s3] =	stream.linear.scatter [tilespmem:s23], [sflag:$0x5], $0x10, $0x38;
	[tilespmem:$0x17618] =	vst v63  }
0xd5: {  	_ =	swait.ge [sflag:s14], $0x10  }
0xd6: {  	[sflag:s14] =	ssyncset.done $0x0  }
0xd7: {  	[sflag:s14] =	ssyncadd.s32 $0xFFFFFFF0  }
0xd8: {  	_ =	sfence.sel $0x180000  }
0xd9: {  	[bflag:$0x0] =	sbarrier.arrive $0xFFFF  }
0xda: {  	_ =	strace $0x90000047  }
0xdb: {  	s0 =	stileid.u32;
	[bflag:$0x2] =	sbarrier.arrive $0xFFFF  }
0xdc: {  	p0 =	sne.s32 s0, $0x0;
	s0 =	rddreg [dreg:$0x2]  }
0xdd: {  	s0 =	sadd.s32 @!p0 $0x100000, s0  }
0xde: {  	[sflag:s0] =	ssyncadd.tile.s32 @!p0 $0x1;
	_ =	shalt  }
.Lfunc_end2:
_tile_overlayer_lowered:
.L_overlay_start_2:
0xdf: {  	(tag) =	ssettag $0x2  }
0xe0: {  	s0 =	rddreg [dreg:$0x0];
	s2 =	stileid.u32  }
0xe1: {  	s1 =	rddreg [dreg:$0x1];
	p0 =	sne.s32 s2, $0x0  }
0xe2: {  	s3 =	rddreg [dreg:$0x2];
	[bflag:$0x3] =	sbarrier.arrive $0xFFFF;
	s2 =	simm.s32 @!p0 $0x1C05  }
0xe3: {  	[timem:s3], [sflag:s2] =	dma.local @!p0 [hbm:s0], s1  }
0xe4: {  	s0 =	simm.s32 @!p0 $0x5  }
0xe5: {  	_ =	swait.ge @!p0 [sflag:s0], s1  }
0xe6: {  	s1 =	ssub.s32 @!p0 $0x0, s1;
	[sflag:s0] =	ssyncset.done @!p0 $0x0  }
0xe7: {  	[sflag:s0] =	ssyncadd.s32 @!p0 s1  }
0xe8: {  	[bflag:$0x3] =	sbarrier.arrive $0xFFFF  }
0xe9: {  	_ =	shalt  }

// kernel: sparse-core-data-format-call.cloned.1.call-start
scs
called_computation_lowered:
.L_overlay_start_0:
0x0: {  	s2 =	sld [smem:$0x3FD9]  }
0x1: {  	s3 =	sld [smem:$0x3FFE];
	_ =	sdelay $0x1  }
0x2: {  	s1 =	srdreg.scid  }
0x3: {  	s0 =	sand.u32 $0x1, s1  }
0x4: {  	s15 =	sshll.u32 s0, $0xA;
	s2 =	sadd.s32 s3, s2  }
0x5: {  	s2 =	sadd.s32 s2, s15  }
0x6: {  	[smem:$0x3FC5] =	sst s2  }
0x7: {  	_ = 	snop  }
0x8: {  	s2 =	sld [smem:$0x3FD0];
	_ =	sdelay $0x2  }
0x9: {  	s16 =	simm.s32 $0xA;
	s4 =	simm.s32 $0x10  }
0xa: {  	[smem:s4], [sflag:s16] =	dma.local [hbm:s2], $0x1  }
0xb: {  	_ =	swait.eq [sflag:s16], $0x1  }
0xc: {  	[sflag:s16] =	ssyncset.done $0x0  }
0xd: {  	[sflag:s16] =	ssyncadd.s32 $0xFFFFFFFF  }
0xe: {  	s17 =	sld [smem:$0x10];
	(tm) =	ssettm $0x1  }
0xf: {  	s18 =	sld [smem:$0x3FFB];
	_ =	sdelay $0x3  }
0x10: {  	_ =	strace s18  }
0x11: {  	s3 =	sld [smem:$0x3FFC];
	_ =	sdelay $0x3  }
0x12: {  	_ =	strace s3  }
0x13: {  	s3 =	sld [smem:$0x3FFD];
	_ =	sdelay $0x3  }
0x14: {  	_ =	strace s3  }
0x15: {  	_ =	strace $0x8FFFFFFF  }
0x16: {  	s19 =	sld [smem:$0x3FDB];
	_ =	sdelay $0x1  }
0x17: {  	s20 =	simm.s32 $_scs_section_size  }
0x18: {  	s5 =	simm.s32 $_size__tile_overlayer_lowered;
	s6 =	simm.s32 $_tile_overlayer_lowered  }
0x19: {  	s23 =	simm.s32 $0x1BFF;
	s22 =	sshll.u32 s6, $0x1;
	s3 =	sadd.s32 s20, s19  }
0x1a: {  	s7 =	simm.s32 $0x0;
	s21 =	sshll.u32 s5, $0x1;
	s5 =	sadd.s32 s22, s3  }
0x1b: {  	[timem:s7], [sflag:s23] =	dma.local [hbm:s5], s21  }
0x1c: {  	_ =	swait.ge [sflag:s23], s21  }
0x1d: {  	s4 =	ssub.s32 $0x0, s21;
	[sflag:s23] =	ssyncset.done $0x0  }
0x1e: {  	[sflag:s23] =	ssyncadd.s32 s4;
	_ =	sdelay $0x1  }
0x1f: {  	s24 =	simm.s32 $0x1B8B  }
0x20: {  	_ =	swait.ge [sflag:s24], $0x1  }
0x21: {  	[sflag:s24] =	ssyncset.done $0x0  }
0x22: {  	s26 =	simm.s32 $0x1B8E;
	s25 =	sld [smem:$0x3FFE];
	[sflag:s24] =	ssyncadd.s32 $0xFFFFFFFF  }
0x23: {  	s27 =	simm.s32 $execute0_lowered;
	[smem:$0x3FD2] =	sst s26  }
0x24: {  	s5 =	sshll.u32 s27, $0x1;
	_ =	strace $0x80000049;
	[dreg:$0x1] =	wrdreg $0xFFFFFFFF  }
0x25: {  	s28 =	simm.s32 $_size_execute0_lowered;
	s3 =	sadd.s32 s3, s5;
	[dreg:$0x0] =	wrdreg $0x0  }
0x26: {  	s5 =	sshll.u32 s28, $0x1;
	[dreg:$0x2] =	wrdreg s3  }
0x27: {  	[dreg:$0x3] =	wrdreg s5  }
0x28: {  	[dreg:$0x4] =	wrdreg $0xC0  }
0x29: {  	_ =	task [dreg:s7], $0x5FFFF  }
0x2a: {  	[dreg:$0x1] =	wrdreg $0xFFFFFFFF  }
0x2b: {  	[dreg:$0x0] =	wrdreg $0x60  }
0x2c: {  	[dreg:$0x2] =	wrdreg s25  }
0x2d: {  	[dreg:$0x3] =	wrdreg s17  }
0x2e: {  	[dreg:$0x4] =	wrdreg $0x9  }
0x2f: {  	_ =	task.clear_ibuf [dreg:s7], $0x5FFFF;
	_ =	strace $0x90000049  }
0x30: {  	s29 =	simm.s32 $0x9;
	_ =	strace $0x8000004B  }
0x31: {  	_ =	swait.ge [sflag:s29], $0x1  }
0x32: {  	[sflag:s29] =	ssyncadd.s32 $0xFFFFFFFF  }
0x33: {  	_ =	strace $0x9000004B  }
0x34: {  	_ =	sfence  }
0x35: {  	s30 =	sld [smem:$0x0];
	_ =	sdelay $0x2  }
0x36: {  	s31 =	sshll.u32 s1, $0xD;
	s1 =	sshrl.u32 s1, $0x2  }
0x37: {  	s3 =	sand.u32 $0x4000, s31;
	s1 =	sadd.s32 s1, s30  }
0x38: {  	s0 =	sor.u32 s3, s0;
	s1 =	sshll.u32 s1, $0x11  }
0x39: {  	s0 =	sor.u32 s1, s0  }
0x3a: {  	s0 =	sadd.s32 $0x8F2B, s0  }
0x3b: {  	[sflag:s0] =	ssyncadd.remote.s32 $0x1  }
0x3c: {  	_ =	sfence.sel $0xFFFF  }
0x3d: {  	[dreg:$0x0] =	wrdreg $0xFFFFFFFF;
	(pc) =	sbr.abs _section_cstart, $3  }
0x3e: {  	[dreg:$0x1] =	wrdreg $0xFFFFFFFF  }
0x3f: {  	_ =	task.clear_ibuf [dreg:s7], $0x2FFFF;
	_ =	strace $0x9FFFFFFF  }
0x40: {  	(tm) =	ssettm $0x7FFFFFFF  }
0x41: {  	_ =	shalt  }
tec
execute0_lowered:
.L_overlay_start_1:
0x0: {  	(tag) =	ssettag $0x1  }
0x1: {  	s4 =	rddreg [dreg:$0x0]  }
0x2: {  	s0 =	stileid.u32;
	s2 =	rddreg [dreg:$0x1]  }
0x3: {  	s7 =	srdreg.scid;
	s31 =	simm.s32 $0x2;
	s17 =	simm.s32 $0x0  }
0x4: {  	s9 =	simm.s32 $0x2000;
	s19 =	simm.s32 $0x0;
	s18 =	simm.s32 $0x0  }
0x5: {  	s10 =	simm.s32 $0x0;
	s11 =	simm.s32 $0x0;
	s1 =	sshll.u32 s0, $0x7  }
0x6: {  	s12 =	simm.s32 $0x0;
	s14 =	simm.s32 $0x0;
	s3 =	sand.u32 $0x380, s1  }
0x7: {  	s16 =	simm.s32 $0x0;
	s4 =	sadd.s32 $0x190D600, s4;
	s5 =	ssub.s32 $0x400, s3  }
0x8: {  	s8 =	sshll.u32 s0, $0x4;
	s7 =	sshll.u32 s7, $0x8;
	s6 =	sand.u32 $0x380, s5  }
0x9: {  	s1 =	rddreg [dreg:$0x2];
	p0 =	sne.s32 s6, $0x0;
	s6 =	simm.s32 $0x1  }
.Ltmp0:
0xa: {  	s5 =	sshrl.u32 s5, $0xA;
	s6 =	simm.s32 @!p0 $0x0;
	(pc) =	sbr.rel .LBB1_1-.Ltmp0, $4  }
0xb: {  	_ =	strace $0x8000004A;
	s7 =	sor.u32 s8, s7;
	s6 =	sadd.s32 s6, s5  }
0xc: {  	s7 =	sand.u32 $0x180, s7;
	s5 =	simm.s32 $0x1;
	s6 =	smul.u32 $0x190, s6  }
0xd: {  	s15 =	smov.u32 s3;
	s13 =	smov.u32 s7;
	[sflag:s5] =	ssyncpa.u1 $0x0  }
0xe: {  	p0 =	por $0x0, $0x0;
	[sflag:s31] =	ssyncpa.u1 $0x0;
	s8 =	sor.u32 $0x1, s6  }
.LBB1_4:
0xf: {  	s25 =	sshll.u32 s10, $0xA;
	s24 =	sshra.s32 s24, $0x2;
	s26 =	sshll.u32 s12, $0x3  }
0x10: {  	p1 =	sgt.s32 s11, $0xC7;
	s27 =	smov.u32 s11;
	s28 =	sshra.s32 s11, $0x1F  }
0x11: {  	p2 =	sgt.s32 s12, $0x380;
	s31 =	sshra.s32 s12, $0x1F;
	s25 =	sand.u32 $0xFFFFE000, s25  }
0x12: {  	s26 =	sand.u32 $0xFFFFFC00, s26;
	s27 =	simm.s32 @!p1 $0xC7;
	s28 =	sand.u32 s28, s11  }
0x13: {  	[tilespmem:s22+$0x2040 ss:$0x81] =	vst.msk $0xffff, v4;
	s23 =	sadd.s32 s24, s23;
	s29 =	sadd.s32 s26, s25;
	s25 =	ssub.s32 s27, s28  }
0x14: {  	[tilespmem:s22+$0x2850 ss:$0x81] =	vst.msk $0xffff, v3;
	s27 =	smov.u32 s12;
	s28 =	smov.u32 s10;
	s26 =	sand.u32 s31, s12  }
0x15: {  	[tilespmem:s22+$0x3060 ss:$0x81] =	vst.msk $0xffff, v2;
	s24 =	sshrl.u32 s29, $0xA;
	s30 =	sadd.s32 $0xFFFFFF39, s25;
	s27 =	simm.s32 @!p2 $0x380  }
0x16: {  	v5 =	vld [tilespmem:s21+$0xFFFFFFD0];
	[tilespmem:s22+$0x0 ss:$0x81] =	vst.msk $0xffff, v1;
	p2 =	sgt.s32 s10, $0x368;
	s29 =	sshra.s32 s10, $0x1F;
	s22 =	ssub.s32 $0xC8, s25  }
0x17: {  	v58 =	vld [tilespmem:s21+$0xFFFFFFE0];
	p1 =	sgt.s32 s30, $0x0;
	s28 =	simm.s32 @!p2 $0x368;
	s29 =	sand.u32 s29, s10  }
0x18: {  	v59 =	vld [tilespmem:s21+$0xFFFFFFF0];
	s26 =	ssub.s32 s27, s26;
	s27 =	smulhi.u32 $0x418938, s24;
	s28 =	ssub.s32 s28, s29  }
0x19: {  	v60 =	vld [tilespmem:s21+$0x0];
	s30 =	sadd.s32 $0xFFFFFC80, s26;
	s25 =	ssub.s32 $0x400, s26;
	s22 =	simm.s32 @p1 $0x0  }
0x1a: {  	v61 =	vld [tilespmem:s21+$0x10];
	[tilespmem:s23+$0x3870 ss:$0x81] =	vst.msk $0xffff, v0;
	s29 =	sand.u32 $0x78, s12;
	p2 =	sgt.s32 s30, $0x7F;
	s31 =	sadd.s32 $0xFFFFFC98, s28  }
0x1b: {  	v62 =	vld [tilespmem:s21+$0x20];
	[tilespmem:s23+$0x810 ss:$0x81] =	vst.msk $0xffff, v5;
	s27 =	smul.u32 $0x3E8, s27;
	s30 =	sshll.u32 s10, $0x7;
	s28 =	ssub.s32 $0x3E8, s28  }
0x1c: {  	v63 =	vld [tilespmem:s21+$0xFFFFFFC0];
	[tilespmem:s23+$0x1020 ss:$0x81] =	vst.msk $0xffff, v58;
	s25 =	simm.s32 @p2 $0x0;
	p1 =	sgt.s32 s31, $0x7F;
	s31 =	smul.u32 $0x1F400, s11  }
0x1d: {  	[tilespmem:s23+$0x1830 ss:$0x81] =	vst.msk $0xffff, v59;
	s21 =	sand.u32 $0x380, s30;
	s22 =	smul.u32 s25, s22;
	s28 =	simm.s32 @p1 $0x0  }
0x1e: {  	[tilespmem:s23+$0x2040 ss:$0x81] =	vst.msk $0xffff, v60;
	s21 =	sor.u32 s29, s21;
	s24 =	ssub.s32 s24, s27;
	s29 =	sand.u32 $0x7, s12  }
0x1f: {  	[tilespmem:s23+$0x2850 ss:$0x81] =	vst.msk $0xffff, v61;
	s21 =	sshrl.u32 s21, $0x3;
	s25 =	sadd.s32 s2, s31;
	s22 =	smul.u32 s28, s22  }
0x20: {  	[tilespmem:s23+$0x3060 ss:$0x81] =	vst.msk $0xffff, v62;
	s24 =	sshll.u32 s24, $0x7;
	s30 =	sshll.u32 s29, $0x12;
	s21 =	sadd.s32 s21, s25  }
0x21: {  	[tilespmem:s23+$0x0 ss:$0x81] =	vst.msk $0xffff, v63;
	s31 =	sor.u32 $0x400, s30;
	s21 =	sadd.s32 s24, s21;
	s22 =	sand.u32 $0x3FFFFFFF, s22  }
0x22: {  	[hbm4b:s21+s31] =	stream.strided.scatter [tilespmem:s20], [sflag:$0x2], s22, s9, s31, $0x20;
	[tilespmem:$0x10100] =	vst v63  }
.LBB1_5:
0x23: {  	p1 =	slt.u32 s16, $0x2  }
0x24: {  	p2 =	sgt.s32 @!p1 s19, $0xC7  }
0x25: {  	s20 =	smov.u32 s19;
	s21 =	sshra.s32 @!p1 s19, $0x1F;
	p2 =	por !p2, p1  }
0x26: {  	s19 =	sand.u32 @!p1 s21, s19;
	s20 =	simm.s32 @p2 $0xC7  }
0x27: {  	p3 =	sgt.s32 @!p1 s17, $0x368;
	s19 =	ssub.s32 @!p1 s20, s19  }
0x28: {  	p4 =	sgt.s32 @!p1 s18, $0x380;
	s22 =	sshra.s32 @!p1 s18, $0x1F;
	s20 =	sadd.s32 @!p1 $0xFFFFFF39, s19  }
0x29: {  	s21 =	smov.u32 s17;
	p2 =	sgt.s32 @!p1 s20, $0x0;
	s20 =	sshra.s32 @!p1 s17, $0x1F  }
0x2a: {  	p4 =	por !p4, p1;
	s17 =	sand.u32 @!p1 s20, s17;
	s20 =	smov.u32 s18  }
0x2b: {  	p3 =	por !p3, p1;
	s18 =	sand.u32 @!p1 s22, s18;
	s20 =	simm.s32 @p4 $0x380  }
0x2c: {  	s21 =	simm.s32 @p3 $0x368;
	s19 =	ssub.s32 @!p1 $0xC8, s19;
	s18 =	ssub.s32 @!p1 s20, s18  }
0x2d: {  	p2 =	por !p2, p1;
	s17 =	ssub.s32 @!p1 s21, s17;
	s21 =	sadd.s32 @!p1 $0xFFFFFC80, s18  }
0x2e: {  	s19 =	simm.s32 @!p2 $0x0;
	p3 =	sgt.s32 @!p1 s21, $0x7F  }
0x2f: {  	s20 =	sadd.s32 @!p1 $0xFFFFFC98, s17;
	s18 =	ssub.s32 @!p1 $0x400, s18;
	p3 =	por !p3, p1  }
0x30: {  	p2 =	sgt.s32 @!p1 s20, $0x7F;
	s20 =	sadd.s32 $0x200, s13;
	s18 =	simm.s32 @!p3 $0x0  }
0x31: {  	p3 =	sgt.s32 s20, $0x3E7;
	s18 =	smul.u32 @!p1 s18, s19;
	s19 =	simm.s32 $0x1  }
0x32: {  	s17 =	ssub.s32 @!p1 $0x3E8, s17;
	p2 =	por !p2, p1;
	s19 =	simm.s32 @!p3 $0x0  }
0x33: {  	s22 =	smov.u32 s15;
	s17 =	simm.s32 @!p2 $0x0;
	s21 =	sadd.s32 s19, s14  }
0x34: {  	s17 =	smul.u32 @!p1 s17, s18;
	s18 =	sadd.s32 $0x400, s15;
	p2 =	sgt.s32 s21, $0xC7  }
0x35: {  	p0 =	por !p0, !p0;
	s23 =	simm.s32 @!p1 $0x2;
	s22 =	smov.u32 @p2 s18  }
0x36: {  	s20 =	smov.u32 @p3 s7;
	s21 =	simm.s32 @p2 $0x0;
	p2 =	sgt.s32 s22, $0x3FF  }
0x37: {  	s19 =	smov.u32 s11;
	s22 =	smov.u32 @p2 s3;
	p2 =	sne.s32 s16, s8  }
.Ltmp1:
0x38: {  	s11 =	smov.u32 s14;
	s17 =	sand.u32 @!p1 $0x3FFFFFFF, s17;
	(pc) =	sbr.rel @!p2 .LBB1_6-.Ltmp1, $4  }
0x39: {  	s18 =	smov.u32 s12;
	s12 =	smov.u32 s15;
	_ =	swait.ge @!p1 [sflag:s23], s17  }
0x3a: {  	s24 =	ssub.s32 @!p1 $0x0, s17;
	s17 =	smov.u32 s10;
	s10 =	smov.u32 s13  }
0x3b: {  	s13 =	smov.u32 s20;
	s14 =	smov.u32 s21;
	[sflag:s23] =	ssyncset.done @!p1 $0x0  }
0x3c: {  	s16 =	sadd.s32 $0x1, s16;
	[sflag:s23] =	ssyncadd.s32 @!p1 s24;
	s15 =	smov.u32 s22  }
.LBB1_1:
0x3d: {  	p1 =	sge.u32 s16, s6  }
0x3e: {  	s20 =	sshll.u32 @!p1 s14, $0xA  }
0x3f: {  	s21 =	sshll.u32 @!p1 s13, $0x3;
	s20 =	sand.u32 @!p1 $0xFFFFE000, s20  }
0x40: {  	s20 =	sadd.s32 @!p1 s20, s21  }
0x41: {  	s20 =	sshrl.u32 @!p1 s20, $0xA  }
0x42: {  	s21 =	smulhi.u32 @!p1 $0x147AE15, s20  }
0x43: {  	s22 =	sshll.u32 @!p1 s14, $0x7;
	s24 =	smul.u32 @!p1 $0x6400, s15  }
0x44: {  	s23 =	sand.u32 @!p1 $0x78, s13;
	s22 =	sand.u32 @!p1 $0x380, s22;
	s21 =	smul.u32 @!p1 $0xC8, s21  }
0x45: {  	s31 =	sadd.s32 $0xFFFFFFFF, s16;
	s22 =	sor.u32 @!p1 s23, s22;
	s23 =	sadd.s32 @!p1 s4, s24  }
0x46: {  	s22 =	sshrl.u32 @!p1 s22, $0x3;
	s20 =	ssub.s32 @!p1 s20, s21;
	s21 =	sxor.u32 @!p1 $0xFFFFFFFF, s16  }
0x47: {  	s22 =	sadd.s32 @!p1 s22, s23;
	s23 =	sand.u32 @!p1 $0x7, s13;
	s21 =	sshll.u32 @!p1 s21, $0xE  }
0x48: {  	s23 =	sshll.u32 @!p1 s23, $0x12;
	s20 =	sshll.u32 @!p1 s20, $0x7;
	s21 =	sand.u32 @!p1 $0x4000, s21  }
0x49: {  	s20 =	sadd.s32 @!p1 s20, s22;
	s22 =	sor.u32 @!p1 $0x80, s23;
	s23 =	simm.s32 @!p1 $0x32000  }
0x4a: {  	[tilespmem:s21], [sflag:$0x1] =	stream.strided.gather @!p1 [hbm4b:s20+s22], $0x4000, s23, s22, $0x38;
	[tilespmem:$0x10100] =	vst v63  }
0x4b: {  	p1 =	sge.u32 s31, s6  }
.Ltmp2:
0x4c: {  	_ = 	snop;
	(pc) =	sbr.rel @p1 .LBB1_5-.Ltmp2, $1  }
0x4d: {  	_ =	sdelay $0x3  }
0x4e: {  	s20 =	simm.s32 $0x1  }
0x4f: {  	_ =	swait.ge [sflag:s5], $0x4000;
	s20 =	simm.s32 @!p0 $0x0  }
0x50: {  	[sflag:s5] =	ssyncset.done $0x0;
	s21 =	sshll.u32 s20, $0xE  }
0x51: {  	[sflag:s5] =	ssyncadd.s32 $0xFFFFC000;
	s21 =	sor.u32 $0x40, s21  }
0x52: {  	s20 =	smul.u32 $0x10200, s20;
	v0 =	vld [tilespmem:s21+$0x30]  }
0x53: {  	v1 =	vld [tilespmem:s21+$0xFFFFFFD0]  }
0x54: {  	s20 =	sshrl.u32 s20, $0x2;
	v5 =	vld [tilespmem:s21+$0xFFFFFFE0]  }
0x55: {  	v6 =	vld [tilespmem:s21+$0xFFFFFFF0];
	s23 =	sor.u32 $0x8000, s20  }
0x56: {  	s31 =	sand.u32 $0x1, s16;
	v4 =	vld [tilespmem:s21+$0x0];
	s22 =	sadd.s32 $0x0, s23  }
0x57: {  	v3 =	vld [tilespmem:s21+$0x10];
	s20 =	smul.u32 $0x10200, s31;
	[tilespmem:s22+$0x3870 ss:$0x81] =	vst.msk $0xffff, v0  }
0x58: {  	v2 =	vld [tilespmem:s21+$0x20];
	[tilespmem:s22+$0x810 ss:$0x81] =	vst.msk $0xffff, v1  }
0x59: {  	s20 =	sshrl.u32 s20, $0x2;
	v1 =	vld [tilespmem:s21+$0xFFFFFFC0];
	[tilespmem:s22+$0x1020 ss:$0x81] =	vst.msk $0xffff, v5;
	s21 =	sadd.s32 $0x80, s21  }
0x5a: {  	s24 =	simm.s32 $0x4;
	s25 =	simm.s32 $0x8;
	s20 =	sor.u32 $0x8000, s20;
	[tilespmem:s22+$0x1830 ss:$0x81] =	vst.msk $0xffff, v6;
	v0 =	vld [tilespmem:s21+$0x30]  }
.LBB1_3:
0x5b: {  	p1 =	sne.s32 s25, $0x1FC;
	v5 =	vld [tilespmem:s21+$0xFFFFFFD0];
	[tilespmem:s22+$0x2040 ss:$0x81] =	vst.msk $0xffff, v4  }
0x5c: {  	v6 =	vld [tilespmem:s21+$0xFFFFFFE0];
	[tilespmem:s22+$0x2850 ss:$0x81] =	vst.msk $0xffff, v3  }
0x5d: {  	s26 =	sshra.s32 s24, $0x2;
	s24 =	smov.u32 s25;
	v7 =	vld [tilespmem:s21+$0xFFFFFFF0];
	[tilespmem:s22+$0x3060 ss:$0x81] =	vst.msk $0xffff, v2  }
.Ltmp3:
0x5e: {  	v4 =	vld [tilespmem:s21+$0x0];
	[tilespmem:s22+$0x0 ss:$0x81] =	vst.msk $0xffff, v1;
	s22 =	sadd.s32 s26, s23;
	(pc) =	sbr.rel @p1 .LBB1_3-.Ltmp3, $4  }
0x5f: {  	v3 =	vld [tilespmem:s21+$0x10];
	[tilespmem:s22+$0x3870 ss:$0x81] =	vst.msk $0xffff, v0  }
0x60: {  	[tilespmem:s22+$0x810 ss:$0x81] =	vst.msk $0xffff, v5;
	v2 =	vld [tilespmem:s21+$0x20]  }
0x61: {  	v1 =	vld [tilespmem:s21+$0xFFFFFFC0];
	[tilespmem:s22+$0x1020 ss:$0x81] =	vst.msk $0xffff, v6;
	s21 =	sadd.s32 $0x80, s21  }
0x62: {  	s25 =	sadd.s32 $0x4, s25;
	v0 =	vld [tilespmem:s21+$0x30];
	[tilespmem:s22+$0x1830 ss:$0x81] =	vst.msk $0xffff, v7  }
.Ltmp4:
0x63: {  	_ = 	snop;
	(pc) =	sbr.rel .LBB1_4-.Ltmp4, $1  }
0x64: {  	_ =	sdelay $0x3  }
.LBB1_6:
0x65: {  	_ =	sfence.sel $0x180000  }
0x66: {  	s2 =	simm.s32 $0x1;
	[bflag:$0x0] =	sbarrier.arrive $0xFFFF  }
0x67: {  	s31 =	simm.s32 $0x2;
	[sflag:s2] =	ssyncpa.u1 $0x1  }
0x68: {  	[sflag:s31] =	ssyncpa.u1 $0x1  }
0x69: {  	p0 =	sne.s32 s0, $0x0;
	_ =	strace $0x9000004A  }
0x6a: {  	s0 =	sadd.s32 @!p0 $0x100000, s1;
	[bflag:$0x2] =	sbarrier.arrive $0xFFFF  }
0x6b: {  	[sflag:s0] =	ssyncadd.tile.s32 @!p0 $0x1;
	_ =	shalt  }
.Lfunc_end1:
_tile_overlayer_lowered:
.L_overlay_start_2:
0x6c: {  	(tag) =	ssettag $0x2  }
0x6d: {  	s0 =	rddreg [dreg:$0x0];
	s2 =	stileid.u32  }
0x6e: {  	s1 =	rddreg [dreg:$0x1];
	p0 =	sne.s32 s2, $0x0  }
0x6f: {  	s3 =	rddreg [dreg:$0x2];
	[bflag:$0x3] =	sbarrier.arrive $0xFFFF;
	s2 =	simm.s32 @!p0 $0x1C01  }
0x70: {  	[timem:s3], [sflag:s2] =	dma.local @!p0 [hbm:s0], s1  }
0x71: {  	s0 =	simm.s32 @!p0 $0x1  }
0x72: {  	_ =	swait.ge @!p0 [sflag:s0], s1  }
0x73: {  	s1 =	ssub.s32 @!p0 $0x0, s1;
	[sflag:s0] =	ssyncset.done @!p0 $0x0  }
0x74: {  	[sflag:s0] =	ssyncadd.s32 @!p0 s1  }
0x75: {  	[bflag:$0x3] =	sbarrier.arrive $0xFFFF  }
0x76: {  	_ =	shalt  }

</sc_bundles>
